<compile_context>
chip_gen: v7x
topology: tpu7x:2x2x1
jax: 0.10.2.dev20260603
libtpu: 0.0.44.dev20260713+nightly
codegen_flags: <defaults>
</compile_context>

<pallas_src>
import functools

import jax
import jax.numpy as jnp
from jax import lax
from jax.experimental import pallas as pl
from jax.experimental.pallas import tpu as pltpu
from jax.experimental.pallas import tpu_sc as plsc

NC = 2
NS = 16
NW = NC * NS
CHUNK = 128
RB = 1024


def _sc_degree(dstp, zeros1d, ones_chunk, n_pad):
    k = dstp.shape[1]
    rpt = n_pad // NS

    @functools.partial(
        pl.kernel,
        out_type=jax.ShapeDtypeStruct((NC, n_pad), jnp.float32),
        mesh=plsc.VectorSubcoreMesh(core_axis_name="c", subcore_axis_name="s"),
        scratch_types=[
            pltpu.VMEM((k, CHUNK), jnp.int32),
            pltpu.VMEM((CHUNK,), jnp.float32),
            pltpu.VMEM_SHARED((n_pad,), jnp.float32),
        ],
    )
    def run(dst_hbm, z_hbm, ones_hbm, out_hbm, idx_v, ones_v, acc):
        c = lax.axis_index("c")
        s = lax.axis_index("s")
        w = c * NS + s
        pltpu.sync_copy(z_hbm, acc.at[pl.ds(s * rpt, rpt)])
        pltpu.sync_copy(dst_hbm.at[w], idx_v)
        pltpu.sync_copy(ones_hbm, ones_v)
        plsc.subcore_barrier()

        def body(j, carry):
            pltpu.sync_copy(ones_v, acc.at[idx_v.at[j]], add=True)
            return carry

        lax.fori_loop(0, k, body, 0)
        plsc.subcore_barrier()
        pltpu.sync_copy(acc.at[pl.ds(s * rpt, rpt)],
                        out_hbm.at[c, pl.ds(s * rpt, rpt)])

    return run(dstp, zeros1d, ones_chunk)


def _sc_prop(g, srcp, dstp, zeros_rows):
    n_pad, d = g.shape
    k = srcp.shape[1]
    rpt = n_pad // NS

    @functools.partial(
        pl.kernel,
        out_type=jax.ShapeDtypeStruct((NC, n_pad, d), jnp.float32),
        mesh=plsc.VectorSubcoreMesh(core_axis_name="c", subcore_axis_name="s"),
        scratch_types=[
            pltpu.VMEM((k // 2, CHUNK), jnp.int32),
            pltpu.VMEM((k // 2, CHUNK), jnp.int32),
            pltpu.VMEM((CHUNK, d), jnp.float32),
            pltpu.VMEM((CHUNK, d), jnp.float32),
            pltpu.VMEM_SHARED((n_pad, d), jnp.float32),
            pltpu.SemaphoreType.DMA,
            pltpu.SemaphoreType.DMA,
        ],
    )
    def run(g_hbm, src_hbm, dst_hbm, z_hbm, out_hbm,
            src_v, dst_v, rows0_v, rows1_v, acc, sem_g, sem_s):
        c = lax.axis_index("c")
        s = lax.axis_index("s")
        w = c * NS + s
        kh = k // 2
        pltpu.sync_copy(z_hbm, acc.at[pl.ds(s * rpt, rpt)])

        for h in range(2):
            pltpu.sync_copy(src_hbm.at[w, pl.ds(h * kh, kh)], src_v)
            pltpu.sync_copy(dst_hbm.at[w, pl.ds(h * kh, kh)], dst_v)
            if h == 0:
                plsc.subcore_barrier()

            def body(jj, carry):
                j0 = 2 * jj
                g0 = pltpu.async_copy(g_hbm.at[src_v.at[j0]], rows0_v, sem_g)
                g1 = pltpu.async_copy(g_hbm.at[src_v.at[j0 + 1]], rows1_v, sem_g)
                g0.wait()
                s0 = pltpu.async_copy(rows0_v, acc.at[dst_v.at[j0]], sem_s, add=True)
                g1.wait()
                s1 = pltpu.async_copy(rows1_v, acc.at[dst_v.at[j0 + 1]], sem_s, add=True)
                s0.wait()
                s1.wait()
                return carry

            lax.fori_loop(0, kh // 2, body, 0)
        plsc.subcore_barrier()
        pltpu.sync_copy(acc.at[pl.ds(s * rpt, rpt)],
                        out_hbm.at[c, pl.ds(s * rpt, rpt)])

    return run(g, srcp, dstp, zeros_rows)


def _dinv_block(deg_blk):
    v8 = lax.rsqrt(deg_blk[0] + deg_blk[1] + 1.0)
    ii = lax.broadcasted_iota(jnp.int32, (128, 128), 0)
    jj = lax.broadcasted_iota(jnp.int32, (128, 128), 1)
    eye = ii == jj
    ones = jnp.ones((128, 128), jnp.float32)
    blocks = []
    for a in range(v8.shape[0]):
        diag = jnp.where(eye, jnp.broadcast_to(v8[a:a + 1, :], (128, 128)), 0.0)
        blocks.append(jnp.dot(diag, ones, preferred_element_type=jnp.float32))
    return jnp.concatenate(blocks, axis=0)


def _tc_matmul_scale(xp, w, degr):
    n_pad, d = xp.shape
    grid = (n_pad // RB,)

    def body(x_ref, w_ref, deg_ref, o_ref):
        xw = jnp.dot(x_ref[...], w_ref[...], preferred_element_type=jnp.float32)
        o_ref[...] = xw * _dinv_block(deg_ref[...])

    return pl.pallas_call(
        body,
        grid=grid,
        in_specs=[
            pl.BlockSpec((RB, d), lambda i: (i, 0)),
            pl.BlockSpec((d, d), lambda i: (0, 0)),
            pl.BlockSpec((NC, RB // 128, 128), lambda i: (0, i, 0)),
        ],
        out_specs=pl.BlockSpec((RB, d), lambda i: (i, 0)),
        out_shape=jax.ShapeDtypeStruct((n_pad, d), jnp.float32),
    )(xp, w, degr)


def _tc_layer(s1, g1, degr, b1r):
    n_pad, d = g1.shape
    grid = (n_pad // RB,)

    def body(s_ref, g_ref, deg_ref, b_ref, o_ref):
        di = _dinv_block(deg_ref[...])
        pre = di * (s_ref[0] + s_ref[1] + g_ref[...]) + b_ref[...]
        o_ref[...] = di * jnp.maximum(pre, 0.0)

    return pl.pallas_call(
        body,
        grid=grid,
        in_specs=[
            pl.BlockSpec((NC, RB, d), lambda i: (0, i, 0)),
            pl.BlockSpec((RB, d), lambda i: (i, 0)),
            pl.BlockSpec((NC, RB // 128, 128), lambda i: (0, i, 0)),
            pl.BlockSpec((1, d), lambda i: (0, 0)),
        ],
        out_specs=pl.BlockSpec((RB, d), lambda i: (i, 0)),
        out_shape=jax.ShapeDtypeStruct((n_pad, d), jnp.float32),
    )(s1, g1, degr, b1r)


def _tc_final(s2, g2, degr, wcat, bcatr):
    n_pad, d = g2.shape
    grid = (n_pad // RB,)

    def body(s_ref, g_ref, deg_ref, w_ref, b_ref, o_ref):
        q = _dinv_block(deg_ref[...]) * (s_ref[0] + s_ref[1] + g_ref[...])
        o_ref[...] = jnp.dot(q, w_ref[...], preferred_element_type=jnp.float32) + b_ref[...]

    return pl.pallas_call(
        body,
        grid=grid,
        in_specs=[
            pl.BlockSpec((NC, RB, d), lambda i: (0, i, 0)),
            pl.BlockSpec((RB, d), lambda i: (i, 0)),
            pl.BlockSpec((NC, RB // 128, 128), lambda i: (0, i, 0)),
            pl.BlockSpec((d, d), lambda i: (0, 0)),
            pl.BlockSpec((1, d), lambda i: (0, 0)),
        ],
        out_specs=pl.BlockSpec((RB, d), lambda i: (i, 0)),
        out_shape=jax.ShapeDtypeStruct((n_pad, d), jnp.float32),
    )(s2, g2, degr, wcat, bcatr)


def kernel(x, edge_index, W1, b1, Wmu, bmu, Wls, bls):
    n, din = x.shape
    e = edge_index.shape[1]
    dh = W1.shape[1]
    dout = Wmu.shape[1]

    n_pad = ((n + RB - 1) // RB) * RB
    per_op = NW * CHUNK
    k = (e + per_op - 1) // per_op
    k = ((k + 3) // 4) * 4
    e_pad = NW * k * CHUNK

    pad_ar = jnp.arange(e_pad - e, dtype=jnp.int32)
    src = jnp.concatenate([edge_index[0], pad_ar % n])
    dst = jnp.concatenate([edge_index[1], n + pad_ar % (n_pad - n)])
    srcp = src.reshape(NW, k, CHUNK)
    dstp = dst.reshape(NW, k, CHUNK)
    xp = jnp.concatenate([x, jnp.zeros((n_pad - n, din), x.dtype)])

    zeros1d = jnp.zeros((n_pad // NS,), jnp.float32)
    zeros_rows = jnp.zeros((n_pad // NS, dh), jnp.float32)
    ones_chunk = jnp.ones((CHUNK,), jnp.float32)

    degp = _sc_degree(dstp, zeros1d, ones_chunk, n_pad)
    degr = degp.reshape(NC, n_pad // 128, 128)

    g1 = _tc_matmul_scale(xp, W1, degr)
    s1 = _sc_prop(g1, srcp, dstp, zeros_rows)
    g2 = _tc_layer(s1, g1, degr, b1.reshape(1, dh))
    s2 = _sc_prop(g2, srcp, dstp, zeros_rows)

    wcat = jnp.concatenate([Wmu, Wls], axis=1)
    bcat = jnp.concatenate([bmu, bls]).reshape(1, 2 * dout)
    out = _tc_final(s2, g2, degr, wcat, bcat)
    return (out[:n, :dout], out[:n, dout:])

# --- scband reference (transcript-rebuilt; emitter-appended) ---
"""Pipeline reference for scband-variational-gcnencoder-66142496358859 (READ-ONLY COPY).

The authoritative reference and input builder live on the scoring server;
editing this copy changes nothing except your own understanding.
"""

import jax, jax.numpy as jnp
import numpy as np

N = 10000
E = 320000
DIN = 128
DH = 128
DOUT = 64


def setup_inputs(seed: int = 0) -> dict:
    key = jax.random.key(seed)
    ks = jax.random.split(key, 8)
    x = jax.random.normal(ks[0], (N, DIN), dtype=jnp.float32)
    edge_index = jax.random.randint(ks[1], (2, E), 0, N, dtype=jnp.int32)
    W1 = jax.random.normal(ks[2], (DIN, DH), dtype=jnp.float32) * (1.0 / np.sqrt(DIN))
    b1 = jnp.zeros((DH,), dtype=jnp.float32)
    Wmu = jax.random.normal(ks[3], (DH, DOUT), dtype=jnp.float32) * (1.0 / np.sqrt(DH))
    bmu = jnp.zeros((DOUT,), dtype=jnp.float32)
    Wls = jax.random.normal(ks[4], (DH, DOUT), dtype=jnp.float32) * (1.0 / np.sqrt(DH))
    bls = jnp.zeros((DOUT,), dtype=jnp.float32)
    return {"x": x, "edge_index": edge_index, "W1": W1, "b1": b1, "Wmu": Wmu, "bmu": bmu, "Wls": Wls, "bls": bls}


def _gcn_conv(h_in, W, b, src, dst, n):
    # GCNConv: linear transform, add self loops, symmetric normalization, scatter-add aggregate, bias
    h = h_in @ W
    loop = jnp.arange(n, dtype=src.dtype)
    src2 = jnp.concatenate([src, loop])
    dst2 = jnp.concatenate([dst, loop])
    ones = jnp.ones(src2.shape[0], dtype=h.dtype)
    deg = jax.ops.segment_sum(ones, dst2, num_segments=n)
    dinv = jnp.where(deg > 0, deg ** -0.5, 0.0)
    norm = dinv[src2] * dinv[dst2]
    msgs = h[src2] * norm[:, None]
    out = jax.ops.segment_sum(msgs, dst2, num_segments=n)
    return out + b


def reference(x, edge_index, W1, b1, Wmu, bmu, Wls, bls):
    n = x.shape[0]
    src = edge_index[0]
    dst = edge_index[1]
    h = jax.nn.relu(_gcn_conv(x, W1, b1, src, dst, n))
    # dropout p=0.0 (eval mode) -> identity
    mu = _gcn_conv(h, Wmu, bmu, src, dst, n)
    logstd = _gcn_conv(h, Wls, bls, src, dst, n)
    return (mu, logstd)

if __name__ == "__main__":
    import jax
    _d = setup_inputs()
    print(jax.jit(kernel)(*tuple(_d.values())))

</pallas_src>

<mosaic_0001>
#map = affine_map<(d0, d1) -> (0, 0)>
#map1 = affine_map<(d0, d1) -> (0, 0, 0)>
module attributes {stable_mosaic.version = 14 : i64} {
  func.func @run(%arg0: i32, %arg1: i32, %arg2: memref<10240x128xf32, #tpu.memory_space<hbm>>, %arg3: memref<32x80x128xi32, #tpu.memory_space<hbm>>, %arg4: memref<32x80x128xi32, #tpu.memory_space<hbm>>, %arg5: memref<640x128xf32, #tpu.memory_space<hbm>>, %arg6: memref<2x10240x128xf32, #tpu.memory_space<hbm>>, %arg7: memref<40x128xi32, #tpu.memory_space<vmem>>, %arg8: memref<40x128xi32, #tpu.memory_space<vmem>>, %arg9: memref<128x128xf32, #tpu.memory_space<vmem>>, %arg10: memref<128x128xf32, #tpu.memory_space<vmem>>, %arg11: memref<10240x128xf32, #tpu.memory_space<vmem_shared>>, %arg12: memref<!tpu.dma_semaphore, #tpu.memory_space<semaphore_mem>>, %arg13: memref<!tpu.dma_semaphore, #tpu.memory_space<semaphore_mem>>) attributes {dimension_semantics = [#tpu.dimension_semantics<core_parallel>, #tpu.dimension_semantics<subcore_parallel>], iteration_bounds = array<i64: 2, 16>, scalar_prefetch = 0 : i64, scratch_operands = 7 : i64, tpu.core_type = #tpu.core_type<sc_vector_subcore>, window_params = [{transform_indices = #map}, {transform_indices = #map1}, {transform_indices = #map1}, {transform_indices = #map}, {transform_indices = #map1}]} {
    %mul3A = arith.constant 16 : i32
    %mul3A_0 = arith.muli %arg0, %mul3A : i32
    %add3A = arith.addi %mul3A_0, %arg1 : i32
    %mul3A_1 = arith.constant 640 : i32
    %mul3A_2 = arith.muli %arg1, %mul3A_1 : i32
    "tpu.region"() ({
      %run_scoped3A = tpu.sem_alloc : memref<!tpu.dma_semaphore, #tpu.memory_space<semaphore_mem>>
      %dma_start3A = arith.constant 0 : i32
      %dma_start3A_19 = tpu.memref_slice %arg11[%mul3A_2, %dma_start3A] : memref<10240x128xf32, #tpu.memory_space<vmem_shared>> -> memref<640x128xf32, #tpu.memory_space<vmem_shared>>
      tpu.enqueue_dma source(%arg5 : memref<640x128xf32, #tpu.memory_space<hbm>>) target(%dma_start3A_19 : memref<640x128xf32, #tpu.memory_space<vmem_shared>>) target_semaphore(%run_scoped3A : memref<!tpu.dma_semaphore, #tpu.memory_space<semaphore_mem>>)
      %dma_wait3A = arith.constant 0 : i32
      %dma_wait3A_20 = tpu.memref_slice %arg11[%mul3A_2, %dma_wait3A] : memref<10240x128xf32, #tpu.memory_space<vmem_shared>> -> memref<640x128xf32, #tpu.memory_space<vmem_shared>>
      tpu.wait_dma2 semaphore(%run_scoped3A : memref<!tpu.dma_semaphore, #tpu.memory_space<semaphore_mem>>) src(%arg5 : memref<640x128xf32, #tpu.memory_space<hbm>>) dst(%dma_wait3A_20 : memref<640x128xf32, #tpu.memory_space<vmem_shared>>)
      tpu.yield
    }) : () -> ()
    "tpu.region"() ({
      %run_scoped3A = tpu.sem_alloc : memref<!tpu.dma_semaphore, #tpu.memory_space<semaphore_mem>>
      %dma_start3A = arith.constant 0 : i32
      %dma_start3A_19 = arith.constant 0 : i32
      %dma_start3A_20 = tpu.memref_slice %arg3[%add3A, %dma_start3A, %dma_start3A_19] : memref<32x80x128xi32, #tpu.memory_space<hbm>> -> memref<1x40x128xi32, #tpu.memory_space<hbm>>
      %dma_start3A_21 = tpu.memref_squeeze %dma_start3A_20 : memref<1x40x128xi32, #tpu.memory_space<hbm>> -> memref<40x128xi32, #tpu.memory_space<hbm>>
      %dma_start3A_22 = arith.constant 0 : i32
      %dma_start3A_23 = arith.constant 0 : i32
      %dma_start3A_24 = tpu.memref_slice %arg3[%add3A, %dma_start3A_22, %dma_start3A_23] : memref<32x80x128xi32, #tpu.memory_space<hbm>> -> memref<1x40x128xi32, #tpu.memory_space<hbm>>
      %dma_start3A_25 = tpu.memref_squeeze %dma_start3A_24 : memref<1x40x128xi32, #tpu.memory_space<hbm>> -> memref<40x128xi32, #tpu.memory_space<hbm>>
      tpu.enqueue_dma source(%dma_start3A_25 : memref<40x128xi32, #tpu.memory_space<hbm>>) target(%arg7 : memref<40x128xi32, #tpu.memory_space<vmem>>) target_semaphore(%run_scoped3A : memref<!tpu.dma_semaphore, #tpu.memory_space<semaphore_mem>>)
      %dma_wait3A = arith.constant 0 : i32
      %dma_wait3A_26 = arith.constant 0 : i32
      %dma_wait3A_27 = tpu.memref_slice %arg3[%add3A, %dma_wait3A, %dma_wait3A_26] : memref<32x80x128xi32, #tpu.memory_space<hbm>> -> memref<1x40x128xi32, #tpu.memory_space<hbm>>
      %dma_wait3A_28 = tpu.memref_squeeze %dma_wait3A_27 : memref<1x40x128xi32, #tpu.memory_space<hbm>> -> memref<40x128xi32, #tpu.memory_space<hbm>>
      %dma_wait3A_29 = arith.constant 0 : i32
      %dma_wait3A_30 = arith.constant 0 : i32
      %dma_wait3A_31 = tpu.memref_slice %arg3[%add3A, %dma_wait3A_29, %dma_wait3A_30] : memref<32x80x128xi32, #tpu.memory_space<hbm>> -> memref<1x40x128xi32, #tpu.memory_space<hbm>>
      %dma_wait3A_32 = tpu.memref_squeeze %dma_wait3A_31 : memref<1x40x128xi32, #tpu.memory_space<hbm>> -> memref<40x128xi32, #tpu.memory_space<hbm>>
      tpu.wait_dma2 semaphore(%run_scoped3A : memref<!tpu.dma_semaphore, #tpu.memory_space<semaphore_mem>>) src(%dma_wait3A_32 : memref<40x128xi32, #tpu.memory_space<hbm>>) dst(%arg7 : memref<40x128xi32, #tpu.memory_space<vmem>>)
      tpu.yield
    }) : () -> ()
    "tpu.region"() ({
      %run_scoped3A = tpu.sem_alloc : memref<!tpu.dma_semaphore, #tpu.memory_space<semaphore_mem>>
      %dma_start3A = arith.constant 0 : i32
      %dma_start3A_19 = arith.constant 0 : i32
      %dma_start3A_20 = tpu.memref_slice %arg4[%add3A, %dma_start3A, %dma_start3A_19] : memref<32x80x128xi32, #tpu.memory_space<hbm>> -> memref<1x40x128xi32, #tpu.memory_space<hbm>>
      %dma_start3A_21 = tpu.memref_squeeze %dma_start3A_20 : memref<1x40x128xi32, #tpu.memory_space<hbm>> -> memref<40x128xi32, #tpu.memory_space<hbm>>
      %dma_start3A_22 = arith.constant 0 : i32
      %dma_start3A_23 = arith.constant 0 : i32
      %dma_start3A_24 = tpu.memref_slice %arg4[%add3A, %dma_start3A_22, %dma_start3A_23] : memref<32x80x128xi32, #tpu.memory_space<hbm>> -> memref<1x40x128xi32, #tpu.memory_space<hbm>>
      %dma_start3A_25 = tpu.memref_squeeze %dma_start3A_24 : memref<1x40x128xi32, #tpu.memory_space<hbm>> -> memref<40x128xi32, #tpu.memory_space<hbm>>
      tpu.enqueue_dma source(%dma_start3A_25 : memref<40x128xi32, #tpu.memory_space<hbm>>) target(%arg8 : memref<40x128xi32, #tpu.memory_space<vmem>>) target_semaphore(%run_scoped3A : memref<!tpu.dma_semaphore, #tpu.memory_space<semaphore_mem>>)
      %dma_wait3A = arith.constant 0 : i32
      %dma_wait3A_26 = arith.constant 0 : i32
      %dma_wait3A_27 = tpu.memref_slice %arg4[%add3A, %dma_wait3A, %dma_wait3A_26] : memref<32x80x128xi32, #tpu.memory_space<hbm>> -> memref<1x40x128xi32, #tpu.memory_space<hbm>>
      %dma_wait3A_28 = tpu.memref_squeeze %dma_wait3A_27 : memref<1x40x128xi32, #tpu.memory_space<hbm>> -> memref<40x128xi32, #tpu.memory_space<hbm>>
      %dma_wait3A_29 = arith.constant 0 : i32
      %dma_wait3A_30 = arith.constant 0 : i32
      %dma_wait3A_31 = tpu.memref_slice %arg4[%add3A, %dma_wait3A_29, %dma_wait3A_30] : memref<32x80x128xi32, #tpu.memory_space<hbm>> -> memref<1x40x128xi32, #tpu.memory_space<hbm>>
      %dma_wait3A_32 = tpu.memref_squeeze %dma_wait3A_31 : memref<1x40x128xi32, #tpu.memory_space<hbm>> -> memref<40x128xi32, #tpu.memory_space<hbm>>
      tpu.wait_dma2 semaphore(%run_scoped3A : memref<!tpu.dma_semaphore, #tpu.memory_space<semaphore_mem>>) src(%dma_wait3A_32 : memref<40x128xi32, #tpu.memory_space<hbm>>) dst(%arg8 : memref<40x128xi32, #tpu.memory_space<vmem>>)
      tpu.yield
    }) : () -> ()
    %barrier3A = arith.constant 0 : index
    tpu.barrier barrier_id(%barrier3A)
    %scan3A = arith.constant 0 : i32
    %scan3A_3 = arith.constant 0 : i32
    %scan3A_4 = arith.constant 20 : i32
    %scan3A_5 = arith.addi %scan3A_3, %scan3A_4 : i32
    %scan3A_6 = arith.constant 1 : i32
    scf.for %scan3A_19 = %scan3A_3 to %scan3A_5 step %scan3A_6  : i32 {
      %mul3A_20 = arith.constant 2 : i32
      %mul3A_21 = arith.muli %mul3A_20, %scan3A_19 : i32
      %dma_start3A = arith.constant 0 : i32
      %dma_start3A_22 = tpu.memref_slice %arg7[%mul3A_21, %dma_start3A] : memref<40x128xi32, #tpu.memory_space<vmem>> -> memref<1x128xi32, #tpu.memory_space<vmem>>
      %dma_start3A_23 = tpu.memref_squeeze %dma_start3A_22 : memref<1x128xi32, #tpu.memory_space<vmem>> -> memref<128xi32, #tpu.memory_space<vmem>>
      %dma_start3A_24 = arith.constant 0 : i32
      %dma_start3A_25 = arith.constant 0 : i32
      %dma_start3A_26 = tpu.memref_slice %arg2[%dma_start3A_24, %dma_start3A_25] : memref<10240x128xf32, #tpu.memory_space<hbm>> -> memref<10240x128xf32, #tpu.memory_space<hbm>>
      tpu.enqueue_indirect_dma source(%dma_start3A_26 : memref<10240x128xf32, #tpu.memory_space<hbm>>) target(%arg9 : memref<128x128xf32, #tpu.memory_space<vmem>>) offsets(%dma_start3A_23 : memref<128xi32, #tpu.memory_space<vmem>>) semaphore(%arg12 : memref<!tpu.dma_semaphore, #tpu.memory_space<semaphore_mem>>)
      %add3A_27 = arith.constant 1 : i32
      %add3A_28 = arith.addi %mul3A_21, %add3A_27 : i32
      %dma_start3A_29 = arith.constant 0 : i32
      %dma_start3A_30 = tpu.memref_slice %arg7[%add3A_28, %dma_start3A_29] : memref<40x128xi32, #tpu.memory_space<vmem>> -> memref<1x128xi32, #tpu.memory_space<vmem>>
      %dma_start3A_31 = tpu.memref_squeeze %dma_start3A_30 : memref<1x128xi32, #tpu.memory_space<vmem>> -> memref<128xi32, #tpu.memory_space<vmem>>
      %dma_start3A_32 = arith.constant 0 : i32
      %dma_start3A_33 = arith.constant 0 : i32
      %dma_start3A_34 = tpu.memref_slice %arg2[%dma_start3A_32, %dma_start3A_33] : memref<10240x128xf32, #tpu.memory_space<hbm>> -> memref<10240x128xf32, #tpu.memory_space<hbm>>
      tpu.enqueue_indirect_dma source(%dma_start3A_34 : memref<10240x128xf32, #tpu.memory_space<hbm>>) target(%arg10 : memref<128x128xf32, #tpu.memory_space<vmem>>) offsets(%dma_start3A_31 : memref<128xi32, #tpu.memory_space<vmem>>) semaphore(%arg12 : memref<!tpu.dma_semaphore, #tpu.memory_space<semaphore_mem>>)
      %dma_wait3A = arith.constant 0 : i32
      %dma_wait3A_35 = tpu.memref_slice %arg7[%mul3A_21, %dma_wait3A] : memref<40x128xi32, #tpu.memory_space<vmem>> -> memref<1x128xi32, #tpu.memory_space<vmem>>
      %dma_wait3A_36 = tpu.memref_squeeze %dma_wait3A_35 : memref<1x128xi32, #tpu.memory_space<vmem>> -> memref<128xi32, #tpu.memory_space<vmem>>
      %dma_wait3A_37 = arith.constant 0 : i32
      %dma_wait3A_38 = arith.constant 0 : i32
      %dma_wait3A_39 = tpu.memref_slice %arg2[%dma_wait3A_37, %dma_wait3A_38] : memref<10240x128xf32, #tpu.memory_space<hbm>> -> memref<10240x128xf32, #tpu.memory_space<hbm>>
      tpu.wait_indirect_dma semaphore(%arg12 : memref<!tpu.dma_semaphore, #tpu.memory_space<semaphore_mem>>) src(%dma_wait3A_39 : memref<10240x128xf32, #tpu.memory_space<hbm>>) dst(%arg9 : memref<128x128xf32, #tpu.memory_space<vmem>>)
      %dma_start3A_40 = arith.constant 0 : i32
      %dma_start3A_41 = tpu.memref_slice %arg8[%mul3A_21, %dma_start3A_40] : memref<40x128xi32, #tpu.memory_space<vmem>> -> memref<1x128xi32, #tpu.memory_space<vmem>>
      %dma_start3A_42 = tpu.memref_squeeze %dma_start3A_41 : memref<1x128xi32, #tpu.memory_space<vmem>> -> memref<128xi32, #tpu.memory_space<vmem>>
      %dma_start3A_43 = arith.constant 0 : i32
      %dma_start3A_44 = arith.constant 0 : i32
      %dma_start3A_45 = tpu.memref_slice %arg11[%dma_start3A_43, %dma_start3A_44] : memref<10240x128xf32, #tpu.memory_space<vmem_shared>> -> memref<10240x128xf32, #tpu.memory_space<vmem_shared>>
      tpu.enqueue_indirect_dma source(%arg9 : memref<128x128xf32, #tpu.memory_space<vmem>>) target(%dma_start3A_45 : memref<10240x128xf32, #tpu.memory_space<vmem_shared>>) offsets(%dma_start3A_42 : memref<128xi32, #tpu.memory_space<vmem>>) semaphore(%arg13 : memref<!tpu.dma_semaphore, #tpu.memory_space<semaphore_mem>>) {add = true}
      %dma_wait3A_46 = arith.constant 0 : i32
      %dma_wait3A_47 = tpu.memref_slice %arg7[%add3A_28, %dma_wait3A_46] : memref<40x128xi32, #tpu.memory_space<vmem>> -> memref<1x128xi32, #tpu.memory_space<vmem>>
      %dma_wait3A_48 = tpu.memref_squeeze %dma_wait3A_47 : memref<1x128xi32, #tpu.memory_space<vmem>> -> memref<128xi32, #tpu.memory_space<vmem>>
      %dma_wait3A_49 = arith.constant 0 : i32
      %dma_wait3A_50 = arith.constant 0 : i32
      %dma_wait3A_51 = tpu.memref_slice %arg2[%dma_wait3A_49, %dma_wait3A_50] : memref<10240x128xf32, #tpu.memory_space<hbm>> -> memref<10240x128xf32, #tpu.memory_space<hbm>>
      tpu.wait_indirect_dma semaphore(%arg12 : memref<!tpu.dma_semaphore, #tpu.memory_space<semaphore_mem>>) src(%dma_wait3A_51 : memref<10240x128xf32, #tpu.memory_space<hbm>>) dst(%arg10 : memref<128x128xf32, #tpu.memory_space<vmem>>)
      %add3A_52 = arith.constant 1 : i32
      %add3A_53 = arith.addi %mul3A_21, %add3A_52 : i32
      %dma_start3A_54 = arith.constant 0 : i32
      %dma_start3A_55 = tpu.memref_slice %arg8[%add3A_53, %dma_start3A_54] : memref<40x128xi32, #tpu.memory_space<vmem>> -> memref<1x128xi32, #tpu.memory_space<vmem>>
      %dma_start3A_56 = tpu.memref_squeeze %dma_start3A_55 : memref<1x128xi32, #tpu.memory_space<vmem>> -> memref<128xi32, #tpu.memory_space<vmem>>
      %dma_start3A_57 = arith.constant 0 : i32
      %dma_start3A_58 = arith.constant 0 : i32
      %dma_start3A_59 = tpu.memref_slice %arg11[%dma_start3A_57, %dma_start3A_58] : memref<10240x128xf32, #tpu.memory_space<vmem_shared>> -> memref<10240x128xf32, #tpu.memory_space<vmem_shared>>
      tpu.enqueue_indirect_dma source(%arg10 : memref<128x128xf32, #tpu.memory_space<vmem>>) target(%dma_start3A_59 : memref<10240x128xf32, #tpu.memory_space<vmem_shared>>) offsets(%dma_start3A_56 : memref<128xi32, #tpu.memory_space<vmem>>) semaphore(%arg13 : memref<!tpu.dma_semaphore, #tpu.memory_space<semaphore_mem>>) {add = true}
      %dma_wait3A_60 = arith.constant 0 : i32
      %dma_wait3A_61 = tpu.memref_slice %arg8[%mul3A_21, %dma_wait3A_60] : memref<40x128xi32, #tpu.memory_space<vmem>> -> memref<1x128xi32, #tpu.memory_space<vmem>>
      %dma_wait3A_62 = tpu.memref_squeeze %dma_wait3A_61 : memref<1x128xi32, #tpu.memory_space<vmem>> -> memref<128xi32, #tpu.memory_space<vmem>>
      %dma_wait3A_63 = arith.constant 0 : i32
      %dma_wait3A_64 = arith.constant 0 : i32
      %dma_wait3A_65 = tpu.memref_slice %arg11[%dma_wait3A_63, %dma_wait3A_64] : memref<10240x128xf32, #tpu.memory_space<vmem_shared>> -> memref<10240x128xf32, #tpu.memory_space<vmem_shared>>
      tpu.wait_indirect_dma semaphore(%arg13 : memref<!tpu.dma_semaphore, #tpu.memory_space<semaphore_mem>>) src(%arg9 : memref<128x128xf32, #tpu.memory_space<vmem>>) dst(%dma_wait3A_65 : memref<10240x128xf32, #tpu.memory_space<vmem_shared>>)
      %dma_wait3A_66 = arith.constant 0 : i32
      %dma_wait3A_67 = tpu.memref_slice %arg8[%add3A_53, %dma_wait3A_66] : memref<40x128xi32, #tpu.memory_space<vmem>> -> memref<1x128xi32, #tpu.memory_space<vmem>>
      %dma_wait3A_68 = tpu.memref_squeeze %dma_wait3A_67 : memref<1x128xi32, #tpu.memory_space<vmem>> -> memref<128xi32, #tpu.memory_space<vmem>>
      %dma_wait3A_69 = arith.constant 0 : i32
      %dma_wait3A_70 = arith.constant 0 : i32
      %dma_wait3A_71 = tpu.memref_slice %arg11[%dma_wait3A_69, %dma_wait3A_70] : memref<10240x128xf32, #tpu.memory_space<vmem_shared>> -> memref<10240x128xf32, #tpu.memory_space<vmem_shared>>
      tpu.wait_indirect_dma semaphore(%arg13 : memref<!tpu.dma_semaphore, #tpu.memory_space<semaphore_mem>>) src(%arg10 : memref<128x128xf32, #tpu.memory_space<vmem>>) dst(%dma_wait3A_71 : memref<10240x128xf32, #tpu.memory_space<vmem_shared>>)
    }
    %scan3A_7 = arith.constant 20 : i32
    "tpu.region"() ({
      %run_scoped3A = tpu.sem_alloc : memref<!tpu.dma_semaphore, #tpu.memory_space<semaphore_mem>>
      %dma_start3A = arith.constant 40 : i32
      %dma_start3A_19 = arith.constant 0 : i32
      %dma_start3A_20 = tpu.memref_slice %arg3[%add3A, %dma_start3A, %dma_start3A_19] : memref<32x80x128xi32, #tpu.memory_space<hbm>> -> memref<1x40x128xi32, #tpu.memory_space<hbm>>
      %dma_start3A_21 = tpu.memref_squeeze %dma_start3A_20 : memref<1x40x128xi32, #tpu.memory_space<hbm>> -> memref<40x128xi32, #tpu.memory_space<hbm>>
      %dma_start3A_22 = arith.constant 40 : i32
      %dma_start3A_23 = arith.constant 0 : i32
      %dma_start3A_24 = tpu.memref_slice %arg3[%add3A, %dma_start3A_22, %dma_start3A_23] : memref<32x80x128xi32, #tpu.memory_space<hbm>> -> memref<1x40x128xi32, #tpu.memory_space<hbm>>
      %dma_start3A_25 = tpu.memref_squeeze %dma_start3A_24 : memref<1x40x128xi32, #tpu.memory_space<hbm>> -> memref<40x128xi32, #tpu.memory_space<hbm>>
      tpu.enqueue_dma source(%dma_start3A_25 : memref<40x128xi32, #tpu.memory_space<hbm>>) target(%arg7 : memref<40x128xi32, #tpu.memory_space<vmem>>) target_semaphore(%run_scoped3A : memref<!tpu.dma_semaphore, #tpu.memory_space<semaphore_mem>>)
      %dma_wait3A = arith.constant 40 : i32
      %dma_wait3A_26 = arith.constant 0 : i32
      %dma_wait3A_27 = tpu.memref_slice %arg3[%add3A, %dma_wait3A, %dma_wait3A_26] : memref<32x80x128xi32, #tpu.memory_space<hbm>> -> memref<1x40x128xi32, #tpu.memory_space<hbm>>
      %dma_wait3A_28 = tpu.memref_squeeze %dma_wait3A_27 : memref<1x40x128xi32, #tpu.memory_space<hbm>> -> memref<40x128xi32, #tpu.memory_space<hbm>>
      %dma_wait3A_29 = arith.constant 40 : i32
      %dma_wait3A_30 = arith.constant 0 : i32
      %dma_wait3A_31 = tpu.memref_slice %arg3[%add3A, %dma_wait3A_29, %dma_wait3A_30] : memref<32x80x128xi32, #tpu.memory_space<hbm>> -> memref<1x40x128xi32, #tpu.memory_space<hbm>>
      %dma_wait3A_32 = tpu.memref_squeeze %dma_wait3A_31 : memref<1x40x128xi32, #tpu.memory_space<hbm>> -> memref<40x128xi32, #tpu.memory_space<hbm>>
      tpu.wait_dma2 semaphore(%run_scoped3A : memref<!tpu.dma_semaphore, #tpu.memory_space<semaphore_mem>>) src(%dma_wait3A_32 : memref<40x128xi32, #tpu.memory_space<hbm>>) dst(%arg7 : memref<40x128xi32, #tpu.memory_space<vmem>>)
      tpu.yield
    }) : () -> ()
    "tpu.region"() ({
      %run_scoped3A = tpu.sem_alloc : memref<!tpu.dma_semaphore, #tpu.memory_space<semaphore_mem>>
      %dma_start3A = arith.constant 40 : i32
      %dma_start3A_19 = arith.constant 0 : i32
      %dma_start3A_20 = tpu.memref_slice %arg4[%add3A, %dma_start3A, %dma_start3A_19] : memref<32x80x128xi32, #tpu.memory_space<hbm>> -> memref<1x40x128xi32, #tpu.memory_space<hbm>>
      %dma_start3A_21 = tpu.memref_squeeze %dma_start3A_20 : memref<1x40x128xi32, #tpu.memory_space<hbm>> -> memref<40x128xi32, #tpu.memory_space<hbm>>
      %dma_start3A_22 = arith.constant 40 : i32
      %dma_start3A_23 = arith.constant 0 : i32
      %dma_start3A_24 = tpu.memref_slice %arg4[%add3A, %dma_start3A_22, %dma_start3A_23] : memref<32x80x128xi32, #tpu.memory_space<hbm>> -> memref<1x40x128xi32, #tpu.memory_space<hbm>>
      %dma_start3A_25 = tpu.memref_squeeze %dma_start3A_24 : memref<1x40x128xi32, #tpu.memory_space<hbm>> -> memref<40x128xi32, #tpu.memory_space<hbm>>
      tpu.enqueue_dma source(%dma_start3A_25 : memref<40x128xi32, #tpu.memory_space<hbm>>) target(%arg8 : memref<40x128xi32, #tpu.memory_space<vmem>>) target_semaphore(%run_scoped3A : memref<!tpu.dma_semaphore, #tpu.memory_space<semaphore_mem>>)
      %dma_wait3A = arith.constant 40 : i32
      %dma_wait3A_26 = arith.constant 0 : i32
      %dma_wait3A_27 = tpu.memref_slice %arg4[%add3A, %dma_wait3A, %dma_wait3A_26] : memref<32x80x128xi32, #tpu.memory_space<hbm>> -> memref<1x40x128xi32, #tpu.memory_space<hbm>>
      %dma_wait3A_28 = tpu.memref_squeeze %dma_wait3A_27 : memref<1x40x128xi32, #tpu.memory_space<hbm>> -> memref<40x128xi32, #tpu.memory_space<hbm>>
      %dma_wait3A_29 = arith.constant 40 : i32
      %dma_wait3A_30 = arith.constant 0 : i32
      %dma_wait3A_31 = tpu.memref_slice %arg4[%add3A, %dma_wait3A_29, %dma_wait3A_30] : memref<32x80x128xi32, #tpu.memory_space<hbm>> -> memref<1x40x128xi32, #tpu.memory_space<hbm>>
      %dma_wait3A_32 = tpu.memref_squeeze %dma_wait3A_31 : memref<1x40x128xi32, #tpu.memory_space<hbm>> -> memref<40x128xi32, #tpu.memory_space<hbm>>
      tpu.wait_dma2 semaphore(%run_scoped3A : memref<!tpu.dma_semaphore, #tpu.memory_space<semaphore_mem>>) src(%dma_wait3A_32 : memref<40x128xi32, #tpu.memory_space<hbm>>) dst(%arg8 : memref<40x128xi32, #tpu.memory_space<vmem>>)
      tpu.yield
    }) : () -> ()
    %scan3A_8 = arith.constant 0 : i32
    %scan3A_9 = arith.constant 0 : i32
    %scan3A_10 = arith.constant 20 : i32
    %scan3A_11 = arith.addi %scan3A_9, %scan3A_10 : i32
    %scan3A_12 = arith.constant 1 : i32
    scf.for %scan3A_19 = %scan3A_9 to %scan3A_11 step %scan3A_12  : i32 {
      %mul3A_20 = arith.constant 2 : i32
      %mul3A_21 = arith.muli %mul3A_20, %scan3A_19 : i32
      %dma_start3A = arith.constant 0 : i32
      %dma_start3A_22 = tpu.memref_slice %arg7[%mul3A_21, %dma_start3A] : memref<40x128xi32, #tpu.memory_space<vmem>> -> memref<1x128xi32, #tpu.memory_space<vmem>>
      %dma_start3A_23 = tpu.memref_squeeze %dma_start3A_22 : memref<1x128xi32, #tpu.memory_space<vmem>> -> memref<128xi32, #tpu.memory_space<vmem>>
      %dma_start3A_24 = arith.constant 0 : i32
      %dma_start3A_25 = arith.constant 0 : i32
      %dma_start3A_26 = tpu.memref_slice %arg2[%dma_start3A_24, %dma_start3A_25] : memref<10240x128xf32, #tpu.memory_space<hbm>> -> memref<10240x128xf32, #tpu.memory_space<hbm>>
      tpu.enqueue_indirect_dma source(%dma_start3A_26 : memref<10240x128xf32, #tpu.memory_space<hbm>>) target(%arg9 : memref<128x128xf32, #tpu.memory_space<vmem>>) offsets(%dma_start3A_23 : memref<128xi32, #tpu.memory_space<vmem>>) semaphore(%arg12 : memref<!tpu.dma_semaphore, #tpu.memory_space<semaphore_mem>>)
      %add3A_27 = arith.constant 1 : i32
      %add3A_28 = arith.addi %mul3A_21, %add3A_27 : i32
      %dma_start3A_29 = arith.constant 0 : i32
      %dma_start3A_30 = tpu.memref_slice %arg7[%add3A_28, %dma_start3A_29] : memref<40x128xi32, #tpu.memory_space<vmem>> -> memref<1x128xi32, #tpu.memory_space<vmem>>
      %dma_start3A_31 = tpu.memref_squeeze %dma_start3A_30 : memref<1x128xi32, #tpu.memory_space<vmem>> -> memref<128xi32, #tpu.memory_space<vmem>>
      %dma_start3A_32 = arith.constant 0 : i32
      %dma_start3A_33 = arith.constant 0 : i32
      %dma_start3A_34 = tpu.memref_slice %arg2[%dma_start3A_32, %dma_start3A_33] : memref<10240x128xf32, #tpu.memory_space<hbm>> -> memref<10240x128xf32, #tpu.memory_space<hbm>>
      tpu.enqueue_indirect_dma source(%dma_start3A_34 : memref<10240x128xf32, #tpu.memory_space<hbm>>) target(%arg10 : memref<128x128xf32, #tpu.memory_space<vmem>>) offsets(%dma_start3A_31 : memref<128xi32, #tpu.memory_space<vmem>>) semaphore(%arg12 : memref<!tpu.dma_semaphore, #tpu.memory_space<semaphore_mem>>)
      %dma_wait3A = arith.constant 0 : i32
      %dma_wait3A_35 = tpu.memref_slice %arg7[%mul3A_21, %dma_wait3A] : memref<40x128xi32, #tpu.memory_space<vmem>> -> memref<1x128xi32, #tpu.memory_space<vmem>>
      %dma_wait3A_36 = tpu.memref_squeeze %dma_wait3A_35 : memref<1x128xi32, #tpu.memory_space<vmem>> -> memref<128xi32, #tpu.memory_space<vmem>>
      %dma_wait3A_37 = arith.constant 0 : i32
      %dma_wait3A_38 = arith.constant 0 : i32
      %dma_wait3A_39 = tpu.memref_slice %arg2[%dma_wait3A_37, %dma_wait3A_38] : memref<10240x128xf32, #tpu.memory_space<hbm>> -> memref<10240x128xf32, #tpu.memory_space<hbm>>
      tpu.wait_indirect_dma semaphore(%arg12 : memref<!tpu.dma_semaphore, #tpu.memory_space<semaphore_mem>>) src(%dma_wait3A_39 : memref<10240x128xf32, #tpu.memory_space<hbm>>) dst(%arg9 : memref<128x128xf32, #tpu.memory_space<vmem>>)
      %dma_start3A_40 = arith.constant 0 : i32
      %dma_start3A_41 = tpu.memref_slice %arg8[%mul3A_21, %dma_start3A_40] : memref<40x128xi32, #tpu.memory_space<vmem>> -> memref<1x128xi32, #tpu.memory_space<vmem>>
      %dma_start3A_42 = tpu.memref_squeeze %dma_start3A_41 : memref<1x128xi32, #tpu.memory_space<vmem>> -> memref<128xi32, #tpu.memory_space<vmem>>
      %dma_start3A_43 = arith.constant 0 : i32
      %dma_start3A_44 = arith.constant 0 : i32
      %dma_start3A_45 = tpu.memref_slice %arg11[%dma_start3A_43, %dma_start3A_44] : memref<10240x128xf32, #tpu.memory_space<vmem_shared>> -> memref<10240x128xf32, #tpu.memory_space<vmem_shared>>
      tpu.enqueue_indirect_dma source(%arg9 : memref<128x128xf32, #tpu.memory_space<vmem>>) target(%dma_start3A_45 : memref<10240x128xf32, #tpu.memory_space<vmem_shared>>) offsets(%dma_start3A_42 : memref<128xi32, #tpu.memory_space<vmem>>) semaphore(%arg13 : memref<!tpu.dma_semaphore, #tpu.memory_space<semaphore_mem>>) {add = true}
      %dma_wait3A_46 = arith.constant 0 : i32
      %dma_wait3A_47 = tpu.memref_slice %arg7[%add3A_28, %dma_wait3A_46] : memref<40x128xi32, #tpu.memory_space<vmem>> -> memref<1x128xi32, #tpu.memory_space<vmem>>
      %dma_wait3A_48 = tpu.memref_squeeze %dma_wait3A_47 : memref<1x128xi32, #tpu.memory_space<vmem>> -> memref<128xi32, #tpu.memory_space<vmem>>
      %dma_wait3A_49 = arith.constant 0 : i32
      %dma_wait3A_50 = arith.constant 0 : i32
      %dma_wait3A_51 = tpu.memref_slice %arg2[%dma_wait3A_49, %dma_wait3A_50] : memref<10240x128xf32, #tpu.memory_space<hbm>> -> memref<10240x128xf32, #tpu.memory_space<hbm>>
      tpu.wait_indirect_dma semaphore(%arg12 : memref<!tpu.dma_semaphore, #tpu.memory_space<semaphore_mem>>) src(%dma_wait3A_51 : memref<10240x128xf32, #tpu.memory_space<hbm>>) dst(%arg10 : memref<128x128xf32, #tpu.memory_space<vmem>>)
      %add3A_52 = arith.constant 1 : i32
      %add3A_53 = arith.addi %mul3A_21, %add3A_52 : i32
      %dma_start3A_54 = arith.constant 0 : i32
      %dma_start3A_55 = tpu.memref_slice %arg8[%add3A_53, %dma_start3A_54] : memref<40x128xi32, #tpu.memory_space<vmem>> -> memref<1x128xi32, #tpu.memory_space<vmem>>
      %dma_start3A_56 = tpu.memref_squeeze %dma_start3A_55 : memref<1x128xi32, #tpu.memory_space<vmem>> -> memref<128xi32, #tpu.memory_space<vmem>>
      %dma_start3A_57 = arith.constant 0 : i32
      %dma_start3A_58 = arith.constant 0 : i32
      %dma_start3A_59 = tpu.memref_slice %arg11[%dma_start3A_57, %dma_start3A_58] : memref<10240x128xf32, #tpu.memory_space<vmem_shared>> -> memref<10240x128xf32, #tpu.memory_space<vmem_shared>>
      tpu.enqueue_indirect_dma source(%arg10 : memref<128x128xf32, #tpu.memory_space<vmem>>) target(%dma_start3A_59 : memref<10240x128xf32, #tpu.memory_space<vmem_shared>>) offsets(%dma_start3A_56 : memref<128xi32, #tpu.memory_space<vmem>>) semaphore(%arg13 : memref<!tpu.dma_semaphore, #tpu.memory_space<semaphore_mem>>) {add = true}
      %dma_wait3A_60 = arith.constant 0 : i32
      %dma_wait3A_61 = tpu.memref_slice %arg8[%mul3A_21, %dma_wait3A_60] : memref<40x128xi32, #tpu.memory_space<vmem>> -> memref<1x128xi32, #tpu.memory_space<vmem>>
      %dma_wait3A_62 = tpu.memref_squeeze %dma_wait3A_61 : memref<1x128xi32, #tpu.memory_space<vmem>> -> memref<128xi32, #tpu.memory_space<vmem>>
      %dma_wait3A_63 = arith.constant 0 : i32
      %dma_wait3A_64 = arith.constant 0 : i32
      %dma_wait3A_65 = tpu.memref_slice %arg11[%dma_wait3A_63, %dma_wait3A_64] : memref<10240x128xf32, #tpu.memory_space<vmem_shared>> -> memref<10240x128xf32, #tpu.memory_space<vmem_shared>>
      tpu.wait_indirect_dma semaphore(%arg13 : memref<!tpu.dma_semaphore, #tpu.memory_space<semaphore_mem>>) src(%arg9 : memref<128x128xf32, #tpu.memory_space<vmem>>) dst(%dma_wait3A_65 : memref<10240x128xf32, #tpu.memory_space<vmem_shared>>)
      %dma_wait3A_66 = arith.constant 0 : i32
      %dma_wait3A_67 = tpu.memref_slice %arg8[%add3A_53, %dma_wait3A_66] : memref<40x128xi32, #tpu.memory_space<vmem>> -> memref<1x128xi32, #tpu.memory_space<vmem>>
      %dma_wait3A_68 = tpu.memref_squeeze %dma_wait3A_67 : memref<1x128xi32, #tpu.memory_space<vmem>> -> memref<128xi32, #tpu.memory_space<vmem>>
      %dma_wait3A_69 = arith.constant 0 : i32
      %dma_wait3A_70 = arith.constant 0 : i32
      %dma_wait3A_71 = tpu.memref_slice %arg11[%dma_wait3A_69, %dma_wait3A_70] : memref<10240x128xf32, #tpu.memory_space<vmem_shared>> -> memref<10240x128xf32, #tpu.memory_space<vmem_shared>>
      tpu.wait_indirect_dma semaphore(%arg13 : memref<!tpu.dma_semaphore, #tpu.memory_space<semaphore_mem>>) src(%arg10 : memref<128x128xf32, #tpu.memory_space<vmem>>) dst(%dma_wait3A_71 : memref<10240x128xf32, #tpu.memory_space<vmem_shared>>)
    }
    %scan3A_13 = arith.constant 20 : i32
    %barrier3A_14 = arith.constant 0 : index
    tpu.barrier barrier_id(%barrier3A_14)
    %mul3A_15 = arith.constant 640 : i32
    %mul3A_16 = arith.muli %arg1, %mul3A_15 : i32
    %mul3A_17 = arith.constant 640 : i32
    %mul3A_18 = arith.muli %arg1, %mul3A_17 : i32
    "tpu.region"() ({
      %run_scoped3A = tpu.sem_alloc : memref<!tpu.dma_semaphore, #tpu.memory_space<semaphore_mem>>
      %dma_start3A = arith.constant 0 : i32
      %dma_start3A_19 = tpu.memref_slice %arg6[%arg0, %mul3A_18, %dma_start3A] : memref<2x10240x128xf32, #tpu.memory_space<hbm>> -> memref<1x640x128xf32, #tpu.memory_space<hbm>>
      %dma_start3A_20 = tpu.memref_squeeze %dma_start3A_19 : memref<1x640x128xf32, #tpu.memory_space<hbm>> -> memref<640x128xf32, #tpu.memory_space<hbm>>
      %dma_start3A_21 = arith.constant 0 : i32
      %dma_start3A_22 = tpu.memref_slice %arg11[%mul3A_16, %dma_start3A_21] : memref<10240x128xf32, #tpu.memory_space<vmem_shared>> -> memref<640x128xf32, #tpu.memory_space<vmem_shared>>
      tpu.enqueue_dma source(%dma_start3A_22 : memref<640x128xf32, #tpu.memory_space<vmem_shared>>) target(%dma_start3A_20 : memref<640x128xf32, #tpu.memory_space<hbm>>) target_semaphore(%run_scoped3A : memref<!tpu.dma_semaphore, #tpu.memory_space<semaphore_mem>>)
      %dma_wait3A = arith.constant 0 : i32
      %dma_wait3A_23 = tpu.memref_slice %arg6[%arg0, %mul3A_18, %dma_wait3A] : memref<2x10240x128xf32, #tpu.memory_space<hbm>> -> memref<1x640x128xf32, #tpu.memory_space<hbm>>
      %dma_wait3A_24 = tpu.memref_squeeze %dma_wait3A_23 : memref<1x640x128xf32, #tpu.memory_space<hbm>> -> memref<640x128xf32, #tpu.memory_space<hbm>>
      %dma_wait3A_25 = arith.constant 0 : i32
      %dma_wait3A_26 = tpu.memref_slice %arg11[%mul3A_16, %dma_wait3A_25] : memref<10240x128xf32, #tpu.memory_space<vmem_shared>> -> memref<640x128xf32, #tpu.memory_space<vmem_shared>>
      tpu.wait_dma2 semaphore(%run_scoped3A : memref<!tpu.dma_semaphore, #tpu.memory_space<semaphore_mem>>) src(%dma_wait3A_26 : memref<640x128xf32, #tpu.memory_space<vmem_shared>>) dst(%dma_wait3A_24 : memref<640x128xf32, #tpu.memory_space<hbm>>)
      tpu.yield
    }) : () -> ()
    return
  }
}

#map = affine_map<(d0, d1) -> (0, 0, 0)>
#map1 = affine_map<(d0, d1) -> (0)>
#map2 = affine_map<(d0, d1) -> (0, 0)>
module attributes {stable_mosaic.version = 14 : i64} {
  func.func @run(%arg0: i32, %arg1: i32, %arg2: memref<32x80x128xi32, #tpu.memory_space<hbm>>, %arg3: memref<640xf32, #tpu.memory_space<hbm>>, %arg4: memref<128xf32, #tpu.memory_space<hbm>>, %arg5: memref<2x10240xf32, #tpu.memory_space<hbm>>, %arg6: memref<80x128xi32, #tpu.memory_space<vmem>>, %arg7: memref<128xf32, #tpu.memory_space<vmem>>, %arg8: memref<10240xf32, #tpu.memory_space<vmem_shared>>) attributes {dimension_semantics = [#tpu.dimension_semantics<core_parallel>, #tpu.dimension_semantics<subcore_parallel>], iteration_bounds = array<i64: 2, 16>, scalar_prefetch = 0 : i64, scratch_operands = 3 : i64, tpu.core_type = #tpu.core_type<sc_vector_subcore>, window_params = [{transform_indices = #map}, {transform_indices = #map1}, {transform_indices = #map1}, {transform_indices = #map2}]} {
    %mul3A = arith.constant 16 : i32
    %mul3A_0 = arith.muli %arg0, %mul3A : i32
    %add3A = arith.addi %mul3A_0, %arg1 : i32
    %mul3A_1 = arith.constant 640 : i32
    %mul3A_2 = arith.muli %arg1, %mul3A_1 : i32
    "tpu.region"() ({
      %run_scoped3A = tpu.sem_alloc : memref<!tpu.dma_semaphore, #tpu.memory_space<semaphore_mem>>
      %dma_start3A = tpu.memref_slice %arg8[%mul3A_2] : memref<10240xf32, #tpu.memory_space<vmem_shared>> -> memref<640xf32, #tpu.memory_space<vmem_shared>>
      tpu.enqueue_dma source(%arg3 : memref<640xf32, #tpu.memory_space<hbm>>) target(%dma_start3A : memref<640xf32, #tpu.memory_space<vmem_shared>>) target_semaphore(%run_scoped3A : memref<!tpu.dma_semaphore, #tpu.memory_space<semaphore_mem>>)
      %dma_wait3A = tpu.memref_slice %arg8[%mul3A_2] : memref<10240xf32, #tpu.memory_space<vmem_shared>> -> memref<640xf32, #tpu.memory_space<vmem_shared>>
      tpu.wait_dma2 semaphore(%run_scoped3A : memref<!tpu.dma_semaphore, #tpu.memory_space<semaphore_mem>>) src(%arg3 : memref<640xf32, #tpu.memory_space<hbm>>) dst(%dma_wait3A : memref<640xf32, #tpu.memory_space<vmem_shared>>)
      tpu.yield
    }) : () -> ()
    "tpu.region"() ({
      %run_scoped3A = tpu.sem_alloc : memref<!tpu.dma_semaphore, #tpu.memory_space<semaphore_mem>>
      %dma_start3A = arith.constant 0 : i32
      %dma_start3A_13 = arith.constant 0 : i32
      %dma_start3A_14 = tpu.memref_slice %arg2[%add3A, %dma_start3A, %dma_start3A_13] : memref<32x80x128xi32, #tpu.memory_space<hbm>> -> memref<1x80x128xi32, #tpu.memory_space<hbm>>
      %dma_start3A_15 = tpu.memref_squeeze %dma_start3A_14 : memref<1x80x128xi32, #tpu.memory_space<hbm>> -> memref<80x128xi32, #tpu.memory_space<hbm>>
      %dma_start3A_16 = arith.constant 0 : i32
      %dma_start3A_17 = arith.constant 0 : i32
      %dma_start3A_18 = tpu.memref_slice %arg2[%add3A, %dma_start3A_16, %dma_start3A_17] : memref<32x80x128xi32, #tpu.memory_space<hbm>> -> memref<1x80x128xi32, #tpu.memory_space<hbm>>
      %dma_start3A_19 = tpu.memref_squeeze %dma_start3A_18 : memref<1x80x128xi32, #tpu.memory_space<hbm>> -> memref<80x128xi32, #tpu.memory_space<hbm>>
      tpu.enqueue_dma source(%dma_start3A_19 : memref<80x128xi32, #tpu.memory_space<hbm>>) target(%arg6 : memref<80x128xi32, #tpu.memory_space<vmem>>) target_semaphore(%run_scoped3A : memref<!tpu.dma_semaphore, #tpu.memory_space<semaphore_mem>>)
      %dma_wait3A = arith.constant 0 : i32
      %dma_wait3A_20 = arith.constant 0 : i32
      %dma_wait3A_21 = tpu.memref_slice %arg2[%add3A, %dma_wait3A, %dma_wait3A_20] : memref<32x80x128xi32, #tpu.memory_space<hbm>> -> memref<1x80x128xi32, #tpu.memory_space<hbm>>
      %dma_wait3A_22 = tpu.memref_squeeze %dma_wait3A_21 : memref<1x80x128xi32, #tpu.memory_space<hbm>> -> memref<80x128xi32, #tpu.memory_space<hbm>>
      %dma_wait3A_23 = arith.constant 0 : i32
      %dma_wait3A_24 = arith.constant 0 : i32
      %dma_wait3A_25 = tpu.memref_slice %arg2[%add3A, %dma_wait3A_23, %dma_wait3A_24] : memref<32x80x128xi32, #tpu.memory_space<hbm>> -> memref<1x80x128xi32, #tpu.memory_space<hbm>>
      %dma_wait3A_26 = tpu.memref_squeeze %dma_wait3A_25 : memref<1x80x128xi32, #tpu.memory_space<hbm>> -> memref<80x128xi32, #tpu.memory_space<hbm>>
      tpu.wait_dma2 semaphore(%run_scoped3A : memref<!tpu.dma_semaphore, #tpu.memory_space<semaphore_mem>>) src(%dma_wait3A_26 : memref<80x128xi32, #tpu.memory_space<hbm>>) dst(%arg6 : memref<80x128xi32, #tpu.memory_space<vmem>>)
      tpu.yield
    }) : () -> ()
    "tpu.region"() ({
      %run_scoped3A = tpu.sem_alloc : memref<!tpu.dma_semaphore, #tpu.memory_space<semaphore_mem>>
      tpu.enqueue_dma source(%arg4 : memref<128xf32, #tpu.memory_space<hbm>>) target(%arg7 : memref<128xf32, #tpu.memory_space<vmem>>) target_semaphore(%run_scoped3A : memref<!tpu.dma_semaphore, #tpu.memory_space<semaphore_mem>>)
      tpu.wait_dma2 semaphore(%run_scoped3A : memref<!tpu.dma_semaphore, #tpu.memory_space<semaphore_mem>>) src(%arg4 : memref<128xf32, #tpu.memory_space<hbm>>) dst(%arg7 : memref<128xf32, #tpu.memory_space<vmem>>)
      tpu.yield
    }) : () -> ()
    %barrier3A = arith.constant 0 : index
    tpu.barrier barrier_id(%barrier3A)
    %scan3A = arith.constant 0 : i32
    %scan3A_3 = arith.constant 0 : i32
    %scan3A_4 = arith.constant 80 : i32
    %scan3A_5 = arith.addi %scan3A_3, %scan3A_4 : i32
    %scan3A_6 = arith.constant 1 : i32
    scf.for %scan3A_13 = %scan3A_3 to %scan3A_5 step %scan3A_6  : i32 {
      "tpu.region"() ({
        %run_scoped3A = tpu.sem_alloc : memref<!tpu.dma_semaphore, #tpu.memory_space<semaphore_mem>>
        %dma_start3A = arith.constant 0 : i32
        %dma_start3A_14 = tpu.memref_slice %arg6[%scan3A_13, %dma_start3A] : memref<80x128xi32, #tpu.memory_space<vmem>> -> memref<1x128xi32, #tpu.memory_space<vmem>>
        %dma_start3A_15 = tpu.memref_squeeze %dma_start3A_14 : memref<1x128xi32, #tpu.memory_space<vmem>> -> memref<128xi32, #tpu.memory_space<vmem>>
        %dma_start3A_16 = arith.constant 0 : i32
        %dma_start3A_17 = tpu.memref_slice %arg8[%dma_start3A_16] : memref<10240xf32, #tpu.memory_space<vmem_shared>> -> memref<10240xf32, #tpu.memory_space<vmem_shared>>
        tpu.enqueue_indirect_dma source(%arg7 : memref<128xf32, #tpu.memory_space<vmem>>) target(%dma_start3A_17 : memref<10240xf32, #tpu.memory_space<vmem_shared>>) offsets(%dma_start3A_15 : memref<128xi32, #tpu.memory_space<vmem>>) semaphore(%run_scoped3A : memref<!tpu.dma_semaphore, #tpu.memory_space<semaphore_mem>>) {add = true}
        %dma_wait3A = arith.constant 0 : i32
        %dma_wait3A_18 = tpu.memref_slice %arg6[%scan3A_13, %dma_wait3A] : memref<80x128xi32, #tpu.memory_space<vmem>> -> memref<1x128xi32, #tpu.memory_space<vmem>>
        %dma_wait3A_19 = tpu.memref_squeeze %dma_wait3A_18 : memref<1x128xi32, #tpu.memory_space<vmem>> -> memref<128xi32, #tpu.memory_space<vmem>>
        %dma_wait3A_20 = arith.constant 0 : i32
        %dma_wait3A_21 = tpu.memref_slice %arg8[%dma_wait3A_20] : memref<10240xf32, #tpu.memory_space<vmem_shared>> -> memref<10240xf32, #tpu.memory_space<vmem_shared>>
        tpu.wait_indirect_dma semaphore(%run_scoped3A : memref<!tpu.dma_semaphore, #tpu.memory_space<semaphore_mem>>) src(%arg7 : memref<128xf32, #tpu.memory_space<vmem>>) dst(%dma_wait3A_21 : memref<10240xf32, #tpu.memory_space<vmem_shared>>)
        tpu.yield
      }) : () -> ()
    }
    %scan3A_7 = arith.constant 80 : i32
    %barrier3A_8 = arith.constant 0 : index
    tpu.barrier barrier_id(%barrier3A_8)
    %mul3A_9 = arith.constant 640 : i32
    %mul3A_10 = arith.muli %arg1, %mul3A_9 : i32
    %mul3A_11 = arith.constant 640 : i32
    %mul3A_12 = arith.muli %arg1, %mul3A_11 : i32
    "tpu.region"() ({
      %run_scoped3A = tpu.sem_alloc : memref<!tpu.dma_semaphore, #tpu.memory_space<semaphore_mem>>
      %dma_start3A = tpu.memref_slice %arg5[%arg0, %mul3A_12] : memref<2x10240xf32, #tpu.memory_space<hbm>> -> memref<1x640xf32, #tpu.memory_space<hbm>>
      %dma_start3A_13 = tpu.memref_squeeze %dma_start3A : memref<1x640xf32, #tpu.memory_space<hbm>> -> memref<640xf32, #tpu.memory_space<hbm>>
      %dma_start3A_14 = tpu.memref_slice %arg8[%mul3A_10] : memref<10240xf32, #tpu.memory_space<vmem_shared>> -> memref<640xf32, #tpu.memory_space<vmem_shared>>
      tpu.enqueue_dma source(%dma_start3A_14 : memref<640xf32, #tpu.memory_space<vmem_shared>>) target(%dma_start3A_13 : memref<640xf32, #tpu.memory_space<hbm>>) target_semaphore(%run_scoped3A : memref<!tpu.dma_semaphore, #tpu.memory_space<semaphore_mem>>)
      %dma_wait3A = tpu.memref_slice %arg5[%arg0, %mul3A_12] : memref<2x10240xf32, #tpu.memory_space<hbm>> -> memref<1x640xf32, #tpu.memory_space<hbm>>
      %dma_wait3A_15 = tpu.memref_squeeze %dma_wait3A : memref<1x640xf32, #tpu.memory_space<hbm>> -> memref<640xf32, #tpu.memory_space<hbm>>
      %dma_wait3A_16 = tpu.memref_slice %arg8[%mul3A_10] : memref<10240xf32, #tpu.memory_space<vmem_shared>> -> memref<640xf32, #tpu.memory_space<vmem_shared>>
      tpu.wait_dma2 semaphore(%run_scoped3A : memref<!tpu.dma_semaphore, #tpu.memory_space<semaphore_mem>>) src(%dma_wait3A_16 : memref<640xf32, #tpu.memory_space<vmem_shared>>) dst(%dma_wait3A_15 : memref<640xf32, #tpu.memory_space<hbm>>)
      tpu.yield
    }) : () -> ()
    return
  }
}

#map = affine_map<(d0, d1) -> (0, 0)>
#map1 = affine_map<(d0, d1) -> (0, 0, 0)>
module attributes {stable_mosaic.version = 14 : i64} {
  func.func @run(%arg0: i32, %arg1: i32, %arg2: memref<10240x128xf32, #tpu.memory_space<hbm>>, %arg3: memref<32x80x128xi32, #tpu.memory_space<hbm>>, %arg4: memref<32x80x128xi32, #tpu.memory_space<hbm>>, %arg5: memref<640x128xf32, #tpu.memory_space<hbm>>, %arg6: memref<2x10240x128xf32, #tpu.memory_space<hbm>>, %arg7: memref<40x128xi32, #tpu.memory_space<vmem>>, %arg8: memref<40x128xi32, #tpu.memory_space<vmem>>, %arg9: memref<128x128xf32, #tpu.memory_space<vmem>>, %arg10: memref<128x128xf32, #tpu.memory_space<vmem>>, %arg11: memref<10240x128xf32, #tpu.memory_space<vmem_shared>>, %arg12: memref<!tpu.dma_semaphore, #tpu.memory_space<semaphore_mem>>, %arg13: memref<!tpu.dma_semaphore, #tpu.memory_space<semaphore_mem>>) attributes {dimension_semantics = [#tpu.dimension_semantics<core_parallel>, #tpu.dimension_semantics<subcore_parallel>], iteration_bounds = array<i64: 2, 16>, scalar_prefetch = 0 : i64, scratch_operands = 7 : i64, tpu.core_type = #tpu.core_type<sc_vector_subcore>, window_params = [{transform_indices = #map}, {transform_indices = #map1}, {transform_indices = #map1}, {transform_indices = #map}, {transform_indices = #map1}]} {
    %mul3A = arith.constant 16 : i32
    %mul3A_0 = arith.muli %arg0, %mul3A : i32
    %add3A = arith.addi %mul3A_0, %arg1 : i32
    %mul3A_1 = arith.constant 640 : i32
    %mul3A_2 = arith.muli %arg1, %mul3A_1 : i32
    "tpu.region"() ({
      %run_scoped3A = tpu.sem_alloc : memref<!tpu.dma_semaphore, #tpu.memory_space<semaphore_mem>>
      %dma_start3A = arith.constant 0 : i32
      %dma_start3A_19 = tpu.memref_slice %arg11[%mul3A_2, %dma_start3A] : memref<10240x128xf32, #tpu.memory_space<vmem_shared>> -> memref<640x128xf32, #tpu.memory_space<vmem_shared>>
      tpu.enqueue_dma source(%arg5 : memref<640x128xf32, #tpu.memory_space<hbm>>) target(%dma_start3A_19 : memref<640x128xf32, #tpu.memory_space<vmem_shared>>) target_semaphore(%run_scoped3A : memref<!tpu.dma_semaphore, #tpu.memory_space<semaphore_mem>>)
      %dma_wait3A = arith.constant 0 : i32
      %dma_wait3A_20 = tpu.memref_slice %arg11[%mul3A_2, %dma_wait3A] : memref<10240x128xf32, #tpu.memory_space<vmem_shared>> -> memref<640x128xf32, #tpu.memory_space<vmem_shared>>
      tpu.wait_dma2 semaphore(%run_scoped3A : memref<!tpu.dma_semaphore, #tpu.memory_space<semaphore_mem>>) src(%arg5 : memref<640x128xf32, #tpu.memory_space<hbm>>) dst(%dma_wait3A_20 : memref<640x128xf32, #tpu.memory_space<vmem_shared>>)
      tpu.yield
    }) : () -> ()
    "tpu.region"() ({
      %run_scoped3A = tpu.sem_alloc : memref<!tpu.dma_semaphore, #tpu.memory_space<semaphore_mem>>
      %dma_start3A = arith.constant 0 : i32
      %dma_start3A_19 = arith.constant 0 : i32
      %dma_start3A_20 = tpu.memref_slice %arg3[%add3A, %dma_start3A, %dma_start3A_19] : memref<32x80x128xi32, #tpu.memory_space<hbm>> -> memref<1x40x128xi32, #tpu.memory_space<hbm>>
      %dma_start3A_21 = tpu.memref_squeeze %dma_start3A_20 : memref<1x40x128xi32, #tpu.memory_space<hbm>> -> memref<40x128xi32, #tpu.memory_space<hbm>>
      %dma_start3A_22 = arith.constant 0 : i32
      %dma_start3A_23 = arith.constant 0 : i32
      %dma_start3A_24 = tpu.memref_slice %arg3[%add3A, %dma_start3A_22, %dma_start3A_23] : memref<32x80x128xi32, #tpu.memory_space<hbm>> -> memref<1x40x128xi32, #tpu.memory_space<hbm>>
      %dma_start3A_25 = tpu.memref_squeeze %dma_start3A_24 : memref<1x40x128xi32, #tpu.memory_space<hbm>> -> memref<40x128xi32, #tpu.memory_space<hbm>>
      tpu.enqueue_dma source(%dma_start3A_25 : memref<40x128xi32, #tpu.memory_space<hbm>>) target(%arg7 : memref<40x128xi32, #tpu.memory_space<vmem>>) target_semaphore(%run_scoped3A : memref<!tpu.dma_semaphore, #tpu.memory_space<semaphore_mem>>)
      %dma_wait3A = arith.constant 0 : i32
      %dma_wait3A_26 = arith.constant 0 : i32
      %dma_wait3A_27 = tpu.memref_slice %arg3[%add3A, %dma_wait3A, %dma_wait3A_26] : memref<32x80x128xi32, #tpu.memory_space<hbm>> -> memref<1x40x128xi32, #tpu.memory_space<hbm>>
      %dma_wait3A_28 = tpu.memref_squeeze %dma_wait3A_27 : memref<1x40x128xi32, #tpu.memory_space<hbm>> -> memref<40x128xi32, #tpu.memory_space<hbm>>
      %dma_wait3A_29 = arith.constant 0 : i32
      %dma_wait3A_30 = arith.constant 0 : i32
      %dma_wait3A_31 = tpu.memref_slice %arg3[%add3A, %dma_wait3A_29, %dma_wait3A_30] : memref<32x80x128xi32, #tpu.memory_space<hbm>> -> memref<1x40x128xi32, #tpu.memory_space<hbm>>
      %dma_wait3A_32 = tpu.memref_squeeze %dma_wait3A_31 : memref<1x40x128xi32, #tpu.memory_space<hbm>> -> memref<40x128xi32, #tpu.memory_space<hbm>>
      tpu.wait_dma2 semaphore(%run_scoped3A : memref<!tpu.dma_semaphore, #tpu.memory_space<semaphore_mem>>) src(%dma_wait3A_32 : memref<40x128xi32, #tpu.memory_space<hbm>>) dst(%arg7 : memref<40x128xi32, #tpu.memory_space<vmem>>)
      tpu.yield
    }) : () -> ()
    "tpu.region"() ({
      %run_scoped3A = tpu.sem_alloc : memref<!tpu.dma_semaphore, #tpu.memory_space<semaphore_mem>>
      %dma_start3A = arith.constant 0 : i32
      %dma_start3A_19 = arith.constant 0 : i32
      %dma_start3A_20 = tpu.memref_slice %arg4[%add3A, %dma_start3A, %dma_start3A_19] : memref<32x80x128xi32, #tpu.memory_space<hbm>> -> memref<1x40x128xi32, #tpu.memory_space<hbm>>
      %dma_start3A_21 = tpu.memref_squeeze %dma_start3A_20 : memref<1x40x128xi32, #tpu.memory_space<hbm>> -> memref<40x128xi32, #tpu.memory_space<hbm>>
      %dma_start3A_22 = arith.constant 0 : i32
      %dma_start3A_23 = arith.constant 0 : i32
      %dma_start3A_24 = tpu.memref_slice %arg4[%add3A, %dma_start3A_22, %dma_start3A_23] : memref<32x80x128xi32, #tpu.memory_space<hbm>> -> memref<1x40x128xi32, #tpu.memory_space<hbm>>
      %dma_start3A_25 = tpu.memref_squeeze %dma_start3A_24 : memref<1x40x128xi32, #tpu.memory_space<hbm>> -> memref<40x128xi32, #tpu.memory_space<hbm>>
      tpu.enqueue_dma source(%dma_start3A_25 : memref<40x128xi32, #tpu.memory_space<hbm>>) target(%arg8 : memref<40x128xi32, #tpu.memory_space<vmem>>) target_semaphore(%run_scoped3A : memref<!tpu.dma_semaphore, #tpu.memory_space<semaphore_mem>>)
      %dma_wait3A = arith.constant 0 : i32
      %dma_wait3A_26 = arith.constant 0 : i32
      %dma_wait3A_27 = tpu.memref_slice %arg4[%add3A, %dma_wait3A, %dma_wait3A_26] : memref<32x80x128xi32, #tpu.memory_space<hbm>> -> memref<1x40x128xi32, #tpu.memory_space<hbm>>
      %dma_wait3A_28 = tpu.memref_squeeze %dma_wait3A_27 : memref<1x40x128xi32, #tpu.memory_space<hbm>> -> memref<40x128xi32, #tpu.memory_space<hbm>>
      %dma_wait3A_29 = arith.constant 0 : i32
      %dma_wait3A_30 = arith.constant 0 : i32
      %dma_wait3A_31 = tpu.memref_slice %arg4[%add3A, %dma_wait3A_29, %dma_wait3A_30] : memref<32x80x128xi32, #tpu.memory_space<hbm>> -> memref<1x40x128xi32, #tpu.memory_space<hbm>>
      %dma_wait3A_32 = tpu.memref_squeeze %dma_wait3A_31 : memref<1x40x128xi32, #tpu.memory_space<hbm>> -> memref<40x128xi32, #tpu.memory_space<hbm>>
      tpu.wait_dma2 semaphore(%run_scoped3A : memref<!tpu.dma_semaphore, #tpu.memory_space<semaphore_mem>>) src(%dma_wait3A_32 : memref<40x128xi32, #tpu.memory_space<hbm>>) dst(%arg8 : memref<40x128xi32, #tpu.memory_space<vmem>>)
      tpu.yield
    }) : () -> ()
    %barrier3A = arith.constant 0 : index
    tpu.barrier barrier_id(%barrier3A)
    %scan3A = arith.constant 0 : i32
    %scan3A_3 = arith.constant 0 : i32
    %scan3A_4 = arith.constant 20 : i32
    %scan3A_5 = arith.addi %scan3A_3, %scan3A_4 : i32
    %scan3A_6 = arith.constant 1 : i32
    scf.for %scan3A_19 = %scan3A_3 to %scan3A_5 step %scan3A_6  : i32 {
      %mul3A_20 = arith.constant 2 : i32
      %mul3A_21 = arith.muli %mul3A_20, %scan3A_19 : i32
      %dma_start3A = arith.constant 0 : i32
      %dma_start3A_22 = tpu.memref_slice %arg7[%mul3A_21, %dma_start3A] : memref<40x128xi32, #tpu.memory_space<vmem>> -> memref<1x128xi32, #tpu.memory_space<vmem>>
      %dma_start3A_23 = tpu.memref_squeeze %dma_start3A_22 : memref<1x128xi32, #tpu.memory_space<vmem>> -> memref<128xi32, #tpu.memory_space<vmem>>
      %dma_start3A_24 = arith.constant 0 : i32
      %dma_start3A_25 = arith.constant 0 : i32
      %dma_start3A_26 = tpu.memref_slice %arg2[%dma_start3A_24, %dma_start3A_25] : memref<10240x128xf32, #tpu.memory_space<hbm>> -> memref<10240x128xf32, #tpu.memory_space<hbm>>
      tpu.enqueue_indirect_dma source(%dma_start3A_26 : memref<10240x128xf32, #tpu.memory_space<hbm>>) target(%arg9 : memref<128x128xf32, #tpu.memory_space<vmem>>) offsets(%dma_start3A_23 : memref<128xi32, #tpu.memory_space<vmem>>) semaphore(%arg12 : memref<!tpu.dma_semaphore, #tpu.memory_space<semaphore_mem>>)
      %add3A_27 = arith.constant 1 : i32
      %add3A_28 = arith.addi %mul3A_21, %add3A_27 : i32
      %dma_start3A_29 = arith.constant 0 : i32
      %dma_start3A_30 = tpu.memref_slice %arg7[%add3A_28, %dma_start3A_29] : memref<40x128xi32, #tpu.memory_space<vmem>> -> memref<1x128xi32, #tpu.memory_space<vmem>>
      %dma_start3A_31 = tpu.memref_squeeze %dma_start3A_30 : memref<1x128xi32, #tpu.memory_space<vmem>> -> memref<128xi32, #tpu.memory_space<vmem>>
      %dma_start3A_32 = arith.constant 0 : i32
      %dma_start3A_33 = arith.constant 0 : i32
      %dma_start3A_34 = tpu.memref_slice %arg2[%dma_start3A_32, %dma_start3A_33] : memref<10240x128xf32, #tpu.memory_space<hbm>> -> memref<10240x128xf32, #tpu.memory_space<hbm>>
      tpu.enqueue_indirect_dma source(%dma_start3A_34 : memref<10240x128xf32, #tpu.memory_space<hbm>>) target(%arg10 : memref<128x128xf32, #tpu.memory_space<vmem>>) offsets(%dma_start3A_31 : memref<128xi32, #tpu.memory_space<vmem>>) semaphore(%arg12 : memref<!tpu.dma_semaphore, #tpu.memory_space<semaphore_mem>>)
      %dma_wait3A = arith.constant 0 : i32
      %dma_wait3A_35 = tpu.memref_slice %arg7[%mul3A_21, %dma_wait3A] : memref<40x128xi32, #tpu.memory_space<vmem>> -> memref<1x128xi32, #tpu.memory_space<vmem>>
      %dma_wait3A_36 = tpu.memref_squeeze %dma_wait3A_35 : memref<1x128xi32, #tpu.memory_space<vmem>> -> memref<128xi32, #tpu.memory_space<vmem>>
      %dma_wait3A_37 = arith.constant 0 : i32
      %dma_wait3A_38 = arith.constant 0 : i32
      %dma_wait3A_39 = tpu.memref_slice %arg2[%dma_wait3A_37, %dma_wait3A_38] : memref<10240x128xf32, #tpu.memory_space<hbm>> -> memref<10240x128xf32, #tpu.memory_space<hbm>>
      tpu.wait_indirect_dma semaphore(%arg12 : memref<!tpu.dma_semaphore, #tpu.memory_space<semaphore_mem>>) src(%dma_wait3A_39 : memref<10240x128xf32, #tpu.memory_space<hbm>>) dst(%arg9 : memref<128x128xf32, #tpu.memory_space<vmem>>)
      %dma_start3A_40 = arith.constant 0 : i32
      %dma_start3A_41 = tpu.memref_slice %arg8[%mul3A_21, %dma_start3A_40] : memref<40x128xi32, #tpu.memory_space<vmem>> -> memref<1x128xi32, #tpu.memory_space<vmem>>
      %dma_start3A_42 = tpu.memref_squeeze %dma_start3A_41 : memref<1x128xi32, #tpu.memory_space<vmem>> -> memref<128xi32, #tpu.memory_space<vmem>>
      %dma_start3A_43 = arith.constant 0 : i32
      %dma_start3A_44 = arith.constant 0 : i32
      %dma_start3A_45 = tpu.memref_slice %arg11[%dma_start3A_43, %dma_start3A_44] : memref<10240x128xf32, #tpu.memory_space<vmem_shared>> -> memref<10240x128xf32, #tpu.memory_space<vmem_shared>>
      tpu.enqueue_indirect_dma source(%arg9 : memref<128x128xf32, #tpu.memory_space<vmem>>) target(%dma_start3A_45 : memref<10240x128xf32, #tpu.memory_space<vmem_shared>>) offsets(%dma_start3A_42 : memref<128xi32, #tpu.memory_space<vmem>>) semaphore(%arg13 : memref<!tpu.dma_semaphore, #tpu.memory_space<semaphore_mem>>) {add = true}
      %dma_wait3A_46 = arith.constant 0 : i32
      %dma_wait3A_47 = tpu.memref_slice %arg7[%add3A_28, %dma_wait3A_46] : memref<40x128xi32, #tpu.memory_space<vmem>> -> memref<1x128xi32, #tpu.memory_space<vmem>>
      %dma_wait3A_48 = tpu.memref_squeeze %dma_wait3A_47 : memref<1x128xi32, #tpu.memory_space<vmem>> -> memref<128xi32, #tpu.memory_space<vmem>>
      %dma_wait3A_49 = arith.constant 0 : i32
      %dma_wait3A_50 = arith.constant 0 : i32
      %dma_wait3A_51 = tpu.memref_slice %arg2[%dma_wait3A_49, %dma_wait3A_50] : memref<10240x128xf32, #tpu.memory_space<hbm>> -> memref<10240x128xf32, #tpu.memory_space<hbm>>
      tpu.wait_indirect_dma semaphore(%arg12 : memref<!tpu.dma_semaphore, #tpu.memory_space<semaphore_mem>>) src(%dma_wait3A_51 : memref<10240x128xf32, #tpu.memory_space<hbm>>) dst(%arg10 : memref<128x128xf32, #tpu.memory_space<vmem>>)
      %add3A_52 = arith.constant 1 : i32
      %add3A_53 = arith.addi %mul3A_21, %add3A_52 : i32
      %dma_start3A_54 = arith.constant 0 : i32
      %dma_start3A_55 = tpu.memref_slice %arg8[%add3A_53, %dma_start3A_54] : memref<40x128xi32, #tpu.memory_space<vmem>> -> memref<1x128xi32, #tpu.memory_space<vmem>>
      %dma_start3A_56 = tpu.memref_squeeze %dma_start3A_55 : memref<1x128xi32, #tpu.memory_space<vmem>> -> memref<128xi32, #tpu.memory_space<vmem>>
      %dma_start3A_57 = arith.constant 0 : i32
      %dma_start3A_58 = arith.constant 0 : i32
      %dma_start3A_59 = tpu.memref_slice %arg11[%dma_start3A_57, %dma_start3A_58] : memref<10240x128xf32, #tpu.memory_space<vmem_shared>> -> memref<10240x128xf32, #tpu.memory_space<vmem_shared>>
      tpu.enqueue_indirect_dma source(%arg10 : memref<128x128xf32, #tpu.memory_space<vmem>>) target(%dma_start3A_59 : memref<10240x128xf32, #tpu.memory_space<vmem_shared>>) offsets(%dma_start3A_56 : memref<128xi32, #tpu.memory_space<vmem>>) semaphore(%arg13 : memref<!tpu.dma_semaphore, #tpu.memory_space<semaphore_mem>>) {add = true}
      %dma_wait3A_60 = arith.constant 0 : i32
      %dma_wait3A_61 = tpu.memref_slice %arg8[%mul3A_21, %dma_wait3A_60] : memref<40x128xi32, #tpu.memory_space<vmem>> -> memref<1x128xi32, #tpu.memory_space<vmem>>
      %dma_wait3A_62 = tpu.memref_squeeze %dma_wait3A_61 : memref<1x128xi32, #tpu.memory_space<vmem>> -> memref<128xi32, #tpu.memory_space<vmem>>
      %dma_wait3A_63 = arith.constant 0 : i32
      %dma_wait3A_64 = arith.constant 0 : i32
      %dma_wait3A_65 = tpu.memref_slice %arg11[%dma_wait3A_63, %dma_wait3A_64] : memref<10240x128xf32, #tpu.memory_space<vmem_shared>> -> memref<10240x128xf32, #tpu.memory_space<vmem_shared>>
      tpu.wait_indirect_dma semaphore(%arg13 : memref<!tpu.dma_semaphore, #tpu.memory_space<semaphore_mem>>) src(%arg9 : memref<128x128xf32, #tpu.memory_space<vmem>>) dst(%dma_wait3A_65 : memref<10240x128xf32, #tpu.memory_space<vmem_shared>>)
      %dma_wait3A_66 = arith.constant 0 : i32
      %dma_wait3A_67 = tpu.memref_slice %arg8[%add3A_53, %dma_wait3A_66] : memref<40x128xi32, #tpu.memory_space<vmem>> -> memref<1x128xi32, #tpu.memory_space<vmem>>
      %dma_wait3A_68 = tpu.memref_squeeze %dma_wait3A_67 : memref<1x128xi32, #tpu.memory_space<vmem>> -> memref<128xi32, #tpu.memory_space<vmem>>
      %dma_wait3A_69 = arith.constant 0 : i32
      %dma_wait3A_70 = arith.constant 0 : i32
      %dma_wait3A_71 = tpu.memref_slice %arg11[%dma_wait3A_69, %dma_wait3A_70] : memref<10240x128xf32, #tpu.memory_space<vmem_shared>> -> memref<10240x128xf32, #tpu.memory_space<vmem_shared>>
      tpu.wait_indirect_dma semaphore(%arg13 : memref<!tpu.dma_semaphore, #tpu.memory_space<semaphore_mem>>) src(%arg10 : memref<128x128xf32, #tpu.memory_space<vmem>>) dst(%dma_wait3A_71 : memref<10240x128xf32, #tpu.memory_space<vmem_shared>>)
    }
    %scan3A_7 = arith.constant 20 : i32
    "tpu.region"() ({
      %run_scoped3A = tpu.sem_alloc : memref<!tpu.dma_semaphore, #tpu.memory_space<semaphore_mem>>
      %dma_start3A = arith.constant 40 : i32
      %dma_start3A_19 = arith.constant 0 : i32
      %dma_start3A_20 = tpu.memref_slice %arg3[%add3A, %dma_start3A, %dma_start3A_19] : memref<32x80x128xi32, #tpu.memory_space<hbm>> -> memref<1x40x128xi32, #tpu.memory_space<hbm>>
      %dma_start3A_21 = tpu.memref_squeeze %dma_start3A_20 : memref<1x40x128xi32, #tpu.memory_space<hbm>> -> memref<40x128xi32, #tpu.memory_space<hbm>>
      %dma_start3A_22 = arith.constant 40 : i32
      %dma_start3A_23 = arith.constant 0 : i32
      %dma_start3A_24 = tpu.memref_slice %arg3[%add3A, %dma_start3A_22, %dma_start3A_23] : memref<32x80x128xi32, #tpu.memory_space<hbm>> -> memref<1x40x128xi32, #tpu.memory_space<hbm>>
      %dma_start3A_25 = tpu.memref_squeeze %dma_start3A_24 : memref<1x40x128xi32, #tpu.memory_space<hbm>> -> memref<40x128xi32, #tpu.memory_space<hbm>>
      tpu.enqueue_dma source(%dma_start3A_25 : memref<40x128xi32, #tpu.memory_space<hbm>>) target(%arg7 : memref<40x128xi32, #tpu.memory_space<vmem>>) target_semaphore(%run_scoped3A : memref<!tpu.dma_semaphore, #tpu.memory_space<semaphore_mem>>)
      %dma_wait3A = arith.constant 40 : i32
      %dma_wait3A_26 = arith.constant 0 : i32
      %dma_wait3A_27 = tpu.memref_slice %arg3[%add3A, %dma_wait3A, %dma_wait3A_26] : memref<32x80x128xi32, #tpu.memory_space<hbm>> -> memref<1x40x128xi32, #tpu.memory_space<hbm>>
      %dma_wait3A_28 = tpu.memref_squeeze %dma_wait3A_27 : memref<1x40x128xi32, #tpu.memory_space<hbm>> -> memref<40x128xi32, #tpu.memory_space<hbm>>
      %dma_wait3A_29 = arith.constant 40 : i32
      %dma_wait3A_30 = arith.constant 0 : i32
      %dma_wait3A_31 = tpu.memref_slice %arg3[%add3A, %dma_wait3A_29, %dma_wait3A_30] : memref<32x80x128xi32, #tpu.memory_space<hbm>> -> memref<1x40x128xi32, #tpu.memory_space<hbm>>
      %dma_wait3A_32 = tpu.memref_squeeze %dma_wait3A_31 : memref<1x40x128xi32, #tpu.memory_space<hbm>> -> memref<40x128xi32, #tpu.memory_space<hbm>>
      tpu.wait_dma2 semaphore(%run_scoped3A : memref<!tpu.dma_semaphore, #tpu.memory_space<semaphore_mem>>) src(%dma_wait3A_32 : memref<40x128xi32, #tpu.memory_space<hbm>>) dst(%arg7 : memref<40x128xi32, #tpu.memory_space<vmem>>)
      tpu.yield
    }) : () -> ()
    "tpu.region"() ({
      %run_scoped3A = tpu.sem_alloc : memref<!tpu.dma_semaphore, #tpu.memory_space<semaphore_mem>>
      %dma_start3A = arith.constant 40 : i32
      %dma_start3A_19 = arith.constant 0 : i32
      %dma_start3A_20 = tpu.memref_slice %arg4[%add3A, %dma_start3A, %dma_start3A_19] : memref<32x80x128xi32, #tpu.memory_space<hbm>> -> memref<1x40x128xi32, #tpu.memory_space<hbm>>
      %dma_start3A_21 = tpu.memref_squeeze %dma_start3A_20 : memref<1x40x128xi32, #tpu.memory_space<hbm>> -> memref<40x128xi32, #tpu.memory_space<hbm>>
      %dma_start3A_22 = arith.constant 40 : i32
      %dma_start3A_23 = arith.constant 0 : i32
      %dma_start3A_24 = tpu.memref_slice %arg4[%add3A, %dma_start3A_22, %dma_start3A_23] : memref<32x80x128xi32, #tpu.memory_space<hbm>> -> memref<1x40x128xi32, #tpu.memory_space<hbm>>
      %dma_start3A_25 = tpu.memref_squeeze %dma_start3A_24 : memref<1x40x128xi32, #tpu.memory_space<hbm>> -> memref<40x128xi32, #tpu.memory_space<hbm>>
      tpu.enqueue_dma source(%dma_start3A_25 : memref<40x128xi32, #tpu.memory_space<hbm>>) target(%arg8 : memref<40x128xi32, #tpu.memory_space<vmem>>) target_semaphore(%run_scoped3A : memref<!tpu.dma_semaphore, #tpu.memory_space<semaphore_mem>>)
      %dma_wait3A = arith.constant 40 : i32
      %dma_wait3A_26 = arith.constant 0 : i32
      %dma_wait3A_27 = tpu.memref_slice %arg4[%add3A, %dma_wait3A, %dma_wait3A_26] : memref<32x80x128xi32, #tpu.memory_space<hbm>> -> memref<1x40x128xi32, #tpu.memory_space<hbm>>
      %dma_wait3A_28 = tpu.memref_squeeze %dma_wait3A_27 : memref<1x40x128xi32, #tpu.memory_space<hbm>> -> memref<40x128xi32, #tpu.memory_space<hbm>>
      %dma_wait3A_29 = arith.constant 40 : i32
      %dma_wait3A_30 = arith.constant 0 : i32
      %dma_wait3A_31 = tpu.memref_slice %arg4[%add3A, %dma_wait3A_29, %dma_wait3A_30] : memref<32x80x128xi32, #tpu.memory_space<hbm>> -> memref<1x40x128xi32, #tpu.memory_space<hbm>>
      %dma_wait3A_32 = tpu.memref_squeeze %dma_wait3A_31 : memref<1x40x128xi32, #tpu.memory_space<hbm>> -> memref<40x128xi32, #tpu.memory_space<hbm>>
      tpu.wait_dma2 semaphore(%run_scoped3A : memref<!tpu.dma_semaphore, #tpu.memory_space<semaphore_mem>>) src(%dma_wait3A_32 : memref<40x128xi32, #tpu.memory_space<hbm>>) dst(%arg8 : memref<40x128xi32, #tpu.memory_space<vmem>>)
      tpu.yield
    }) : () -> ()
    %scan3A_8 = arith.constant 0 : i32
    %scan3A_9 = arith.constant 0 : i32
    %scan3A_10 = arith.constant 20 : i32
    %scan3A_11 = arith.addi %scan3A_9, %scan3A_10 : i32
    %scan3A_12 = arith.constant 1 : i32
    scf.for %scan3A_19 = %scan3A_9 to %scan3A_11 step %scan3A_12  : i32 {
      %mul3A_20 = arith.constant 2 : i32
      %mul3A_21 = arith.muli %mul3A_20, %scan3A_19 : i32
      %dma_start3A = arith.constant 0 : i32
      %dma_start3A_22 = tpu.memref_slice %arg7[%mul3A_21, %dma_start3A] : memref<40x128xi32, #tpu.memory_space<vmem>> -> memref<1x128xi32, #tpu.memory_space<vmem>>
      %dma_start3A_23 = tpu.memref_squeeze %dma_start3A_22 : memref<1x128xi32, #tpu.memory_space<vmem>> -> memref<128xi32, #tpu.memory_space<vmem>>
      %dma_start3A_24 = arith.constant 0 : i32
      %dma_start3A_25 = arith.constant 0 : i32
      %dma_start3A_26 = tpu.memref_slice %arg2[%dma_start3A_24, %dma_start3A_25] : memref<10240x128xf32, #tpu.memory_space<hbm>> -> memref<10240x128xf32, #tpu.memory_space<hbm>>
      tpu.enqueue_indirect_dma source(%dma_start3A_26 : memref<10240x128xf32, #tpu.memory_space<hbm>>) target(%arg9 : memref<128x128xf32, #tpu.memory_space<vmem>>) offsets(%dma_start3A_23 : memref<128xi32, #tpu.memory_space<vmem>>) semaphore(%arg12 : memref<!tpu.dma_semaphore, #tpu.memory_space<semaphore_mem>>)
      %add3A_27 = arith.constant 1 : i32
      %add3A_28 = arith.addi %mul3A_21, %add3A_27 : i32
      %dma_start3A_29 = arith.constant 0 : i32
      %dma_start3A_30 = tpu.memref_slice %arg7[%add3A_28, %dma_start3A_29] : memref<40x128xi32, #tpu.memory_space<vmem>> -> memref<1x128xi32, #tpu.memory_space<vmem>>
      %dma_start3A_31 = tpu.memref_squeeze %dma_start3A_30 : memref<1x128xi32, #tpu.memory_space<vmem>> -> memref<128xi32, #tpu.memory_space<vmem>>
      %dma_start3A_32 = arith.constant 0 : i32
      %dma_start3A_33 = arith.constant 0 : i32
      %dma_start3A_34 = tpu.memref_slice %arg2[%dma_start3A_32, %dma_start3A_33] : memref<10240x128xf32, #tpu.memory_space<hbm>> -> memref<10240x128xf32, #tpu.memory_space<hbm>>
      tpu.enqueue_indirect_dma source(%dma_start3A_34 : memref<10240x128xf32, #tpu.memory_space<hbm>>) target(%arg10 : memref<128x128xf32, #tpu.memory_space<vmem>>) offsets(%dma_start3A_31 : memref<128xi32, #tpu.memory_space<vmem>>) semaphore(%arg12 : memref<!tpu.dma_semaphore, #tpu.memory_space<semaphore_mem>>)
      %dma_wait3A = arith.constant 0 : i32
      %dma_wait3A_35 = tpu.memref_slice %arg7[%mul3A_21, %dma_wait3A] : memref<40x128xi32, #tpu.memory_space<vmem>> -> memref<1x128xi32, #tpu.memory_space<vmem>>
      %dma_wait3A_36 = tpu.memref_squeeze %dma_wait3A_35 : memref<1x128xi32, #tpu.memory_space<vmem>> -> memref<128xi32, #tpu.memory_space<vmem>>
      %dma_wait3A_37 = arith.constant 0 : i32
      %dma_wait3A_38 = arith.constant 0 : i32
      %dma_wait3A_39 = tpu.memref_slice %arg2[%dma_wait3A_37, %dma_wait3A_38] : memref<10240x128xf32, #tpu.memory_space<hbm>> -> memref<10240x128xf32, #tpu.memory_space<hbm>>
      tpu.wait_indirect_dma semaphore(%arg12 : memref<!tpu.dma_semaphore, #tpu.memory_space<semaphore_mem>>) src(%dma_wait3A_39 : memref<10240x128xf32, #tpu.memory_space<hbm>>) dst(%arg9 : memref<128x128xf32, #tpu.memory_space<vmem>>)
      %dma_start3A_40 = arith.constant 0 : i32
      %dma_start3A_41 = tpu.memref_slice %arg8[%mul3A_21, %dma_start3A_40] : memref<40x128xi32, #tpu.memory_space<vmem>> -> memref<1x128xi32, #tpu.memory_space<vmem>>
      %dma_start3A_42 = tpu.memref_squeeze %dma_start3A_41 : memref<1x128xi32, #tpu.memory_space<vmem>> -> memref<128xi32, #tpu.memory_space<vmem>>
      %dma_start3A_43 = arith.constant 0 : i32
      %dma_start3A_44 = arith.constant 0 : i32
      %dma_start3A_45 = tpu.memref_slice %arg11[%dma_start3A_43, %dma_start3A_44] : memref<10240x128xf32, #tpu.memory_space<vmem_shared>> -> memref<10240x128xf32, #tpu.memory_space<vmem_shared>>
      tpu.enqueue_indirect_dma source(%arg9 : memref<128x128xf32, #tpu.memory_space<vmem>>) target(%dma_start3A_45 : memref<10240x128xf32, #tpu.memory_space<vmem_shared>>) offsets(%dma_start3A_42 : memref<128xi32, #tpu.memory_space<vmem>>) semaphore(%arg13 : memref<!tpu.dma_semaphore, #tpu.memory_space<semaphore_mem>>) {add = true}
      %dma_wait3A_46 = arith.constant 0 : i32
      %dma_wait3A_47 = tpu.memref_slice %arg7[%add3A_28, %dma_wait3A_46] : memref<40x128xi32, #tpu.memory_space<vmem>> -> memref<1x128xi32, #tpu.memory_space<vmem>>
      %dma_wait3A_48 = tpu.memref_squeeze %dma_wait3A_47 : memref<1x128xi32, #tpu.memory_space<vmem>> -> memref<128xi32, #tpu.memory_space<vmem>>
      %dma_wait3A_49 = arith.constant 0 : i32
      %dma_wait3A_50 = arith.constant 0 : i32
      %dma_wait3A_51 = tpu.memref_slice %arg2[%dma_wait3A_49, %dma_wait3A_50] : memref<10240x128xf32, #tpu.memory_space<hbm>> -> memref<10240x128xf32, #tpu.memory_space<hbm>>
      tpu.wait_indirect_dma semaphore(%arg12 : memref<!tpu.dma_semaphore, #tpu.memory_space<semaphore_mem>>) src(%dma_wait3A_51 : memref<10240x128xf32, #tpu.memory_space<hbm>>) dst(%arg10 : memref<128x128xf32, #tpu.memory_space<vmem>>)
      %add3A_52 = arith.constant 1 : i32
      %add3A_53 = arith.addi %mul3A_21, %add3A_52 : i32
      %dma_start3A_54 = arith.constant 0 : i32
      %dma_start3A_55 = tpu.memref_slice %arg8[%add3A_53, %dma_start3A_54] : memref<40x128xi32, #tpu.memory_space<vmem>> -> memref<1x128xi32, #tpu.memory_space<vmem>>
      %dma_start3A_56 = tpu.memref_squeeze %dma_start3A_55 : memref<1x128xi32, #tpu.memory_space<vmem>> -> memref<128xi32, #tpu.memory_space<vmem>>
      %dma_start3A_57 = arith.constant 0 : i32
      %dma_start3A_58 = arith.constant 0 : i32
      %dma_start3A_59 = tpu.memref_slice %arg11[%dma_start3A_57, %dma_start3A_58] : memref<10240x128xf32, #tpu.memory_space<vmem_shared>> -> memref<10240x128xf32, #tpu.memory_space<vmem_shared>>
      tpu.enqueue_indirect_dma source(%arg10 : memref<128x128xf32, #tpu.memory_space<vmem>>) target(%dma_start3A_59 : memref<10240x128xf32, #tpu.memory_space<vmem_shared>>) offsets(%dma_start3A_56 : memref<128xi32, #tpu.memory_space<vmem>>) semaphore(%arg13 : memref<!tpu.dma_semaphore, #tpu.memory_space<semaphore_mem>>) {add = true}
      %dma_wait3A_60 = arith.constant 0 : i32
      %dma_wait3A_61 = tpu.memref_slice %arg8[%mul3A_21, %dma_wait3A_60] : memref<40x128xi32, #tpu.memory_space<vmem>> -> memref<1x128xi32, #tpu.memory_space<vmem>>
      %dma_wait3A_62 = tpu.memref_squeeze %dma_wait3A_61 : memref<1x128xi32, #tpu.memory_space<vmem>> -> memref<128xi32, #tpu.memory_space<vmem>>
      %dma_wait3A_63 = arith.constant 0 : i32
      %dma_wait3A_64 = arith.constant 0 : i32
      %dma_wait3A_65 = tpu.memref_slice %arg11[%dma_wait3A_63, %dma_wait3A_64] : memref<10240x128xf32, #tpu.memory_space<vmem_shared>> -> memref<10240x128xf32, #tpu.memory_space<vmem_shared>>
      tpu.wait_indirect_dma semaphore(%arg13 : memref<!tpu.dma_semaphore, #tpu.memory_space<semaphore_mem>>) src(%arg9 : memref<128x128xf32, #tpu.memory_space<vmem>>) dst(%dma_wait3A_65 : memref<10240x128xf32, #tpu.memory_space<vmem_shared>>)
      %dma_wait3A_66 = arith.constant 0 : i32
      %dma_wait3A_67 = tpu.memref_slice %arg8[%add3A_53, %dma_wait3A_66] : memref<40x128xi32, #tpu.memory_space<vmem>> -> memref<1x128xi32, #tpu.memory_space<vmem>>
      %dma_wait3A_68 = tpu.memref_squeeze %dma_wait3A_67 : memref<1x128xi32, #tpu.memory_space<vmem>> -> memref<128xi32, #tpu.memory_space<vmem>>
      %dma_wait3A_69 = arith.constant 0 : i32
      %dma_wait3A_70 = arith.constant 0 : i32
      %dma_wait3A_71 = tpu.memref_slice %arg11[%dma_wait3A_69, %dma_wait3A_70] : memref<10240x128xf32, #tpu.memory_space<vmem_shared>> -> memref<10240x128xf32, #tpu.memory_space<vmem_shared>>
      tpu.wait_indirect_dma semaphore(%arg13 : memref<!tpu.dma_semaphore, #tpu.memory_space<semaphore_mem>>) src(%arg10 : memref<128x128xf32, #tpu.memory_space<vmem>>) dst(%dma_wait3A_71 : memref<10240x128xf32, #tpu.memory_space<vmem_shared>>)
    }
    %scan3A_13 = arith.constant 20 : i32
    %barrier3A_14 = arith.constant 0 : index
    tpu.barrier barrier_id(%barrier3A_14)
    %mul3A_15 = arith.constant 640 : i32
    %mul3A_16 = arith.muli %arg1, %mul3A_15 : i32
    %mul3A_17 = arith.constant 640 : i32
    %mul3A_18 = arith.muli %arg1, %mul3A_17 : i32
    "tpu.region"() ({
      %run_scoped3A = tpu.sem_alloc : memref<!tpu.dma_semaphore, #tpu.memory_space<semaphore_mem>>
      %dma_start3A = arith.constant 0 : i32
      %dma_start3A_19 = tpu.memref_slice %arg6[%arg0, %mul3A_18, %dma_start3A] : memref<2x10240x128xf32, #tpu.memory_space<hbm>> -> memref<1x640x128xf32, #tpu.memory_space<hbm>>
      %dma_start3A_20 = tpu.memref_squeeze %dma_start3A_19 : memref<1x640x128xf32, #tpu.memory_space<hbm>> -> memref<640x128xf32, #tpu.memory_space<hbm>>
      %dma_start3A_21 = arith.constant 0 : i32
      %dma_start3A_22 = tpu.memref_slice %arg11[%mul3A_16, %dma_start3A_21] : memref<10240x128xf32, #tpu.memory_space<vmem_shared>> -> memref<640x128xf32, #tpu.memory_space<vmem_shared>>
      tpu.enqueue_dma source(%dma_start3A_22 : memref<640x128xf32, #tpu.memory_space<vmem_shared>>) target(%dma_start3A_20 : memref<640x128xf32, #tpu.memory_space<hbm>>) target_semaphore(%run_scoped3A : memref<!tpu.dma_semaphore, #tpu.memory_space<semaphore_mem>>)
      %dma_wait3A = arith.constant 0 : i32
      %dma_wait3A_23 = tpu.memref_slice %arg6[%arg0, %mul3A_18, %dma_wait3A] : memref<2x10240x128xf32, #tpu.memory_space<hbm>> -> memref<1x640x128xf32, #tpu.memory_space<hbm>>
      %dma_wait3A_24 = tpu.memref_squeeze %dma_wait3A_23 : memref<1x640x128xf32, #tpu.memory_space<hbm>> -> memref<640x128xf32, #tpu.memory_space<hbm>>
      %dma_wait3A_25 = arith.constant 0 : i32
      %dma_wait3A_26 = tpu.memref_slice %arg11[%mul3A_16, %dma_wait3A_25] : memref<10240x128xf32, #tpu.memory_space<vmem_shared>> -> memref<640x128xf32, #tpu.memory_space<vmem_shared>>
      tpu.wait_dma2 semaphore(%run_scoped3A : memref<!tpu.dma_semaphore, #tpu.memory_space<semaphore_mem>>) src(%dma_wait3A_26 : memref<640x128xf32, #tpu.memory_space<vmem_shared>>) dst(%dma_wait3A_24 : memref<640x128xf32, #tpu.memory_space<hbm>>)
      tpu.yield
    }) : () -> ()
    return
  }
}

module attributes {stable_mosaic.version = 14 : i64} {
  func.func @body(%arg0: i32, %arg1: memref<1024x128xf32, #tpu.memory_space<vmem>>, %arg2: memref<128x128xf32, #tpu.memory_space<vmem>>, %arg3: memref<2x8x128xf32, #tpu.memory_space<vmem>>, %arg4: memref<1024x128xf32, #tpu.memory_space<vmem>>) attributes {dimension_semantics = [#tpu.dimension_semantics<arbitrary>], iteration_bounds = array<i64: 10>, scalar_prefetch = 0 : i64, scratch_operands = 0 : i64, tpu.core_type = #tpu.core_type<tc>, window_params = [{transform_indices = @transform_0, window_bounds = array<i64: 1024, 128>}, {pipeline_mode = #tpu.pipeline_mode<synchronous>, transform_indices = @transform_1, window_bounds = array<i64: 128, 128>}, {transform_indices = @transform_2, window_bounds = array<i64: 2, 8, 128>}, {transform_indices = @transform_3, window_bounds = array<i64: 1024, 128>}]} {
    %get3A = arith.constant 0 : index
    %get3A_0 = arith.constant 0 : index
    %get3A_1 = vector.load %arg1[%get3A, %get3A_0] : memref<1024x128xf32, #tpu.memory_space<vmem>>, vector<1024x128xf32>
    %get3A_2 = arith.constant 0 : index
    %get3A_3 = arith.constant 0 : index
    %get3A_4 = vector.load %arg2[%get3A_2, %get3A_3] : memref<128x128xf32, #tpu.memory_space<vmem>>, vector<128x128xf32>
    %dot_general3A = arith.constant dense<0.000000e+00> : vector<1024x128xf32>
    %dot_general3A_5 = tpu.matmul %get3A_1, %get3A_4, %dot_general3A {dimension_numbers = #tpu.dot_dimension_numbers<[1], [0], [0], [1], [0, 0, 1, 1], [], []>, transpose_lhs_hint = false} : vector<1024x128xf32>, vector<128x128xf32>, vector<1024x128xf32> -> vector<1024x128xf32>
    %get3A_6 = arith.constant 0 : index
    %get3A_7 = arith.constant 0 : index
    %get3A_8 = arith.constant 0 : index
    %get3A_9 = vector.load %arg3[%get3A_6, %get3A_7, %get3A_8] : memref<2x8x128xf32, #tpu.memory_space<vmem>>, vector<2x8x128xf32>
    %slice3A = vector.extract_strided_slice %get3A_9 {offsets = [0, 0, 0], sizes = [1, 8, 128], strides = [1, 1, 1]} : vector<2x8x128xf32> to vector<1x8x128xf32>
    %squeeze3A = vector.shape_cast %slice3A : vector<1x8x128xf32> to vector<8x128xf32>
    %slice3A_10 = vector.extract_strided_slice %get3A_9 {offsets = [1, 0, 0], sizes = [1, 8, 128], strides = [1, 1, 1]} : vector<2x8x128xf32> to vector<1x8x128xf32>
    %squeeze3A_11 = vector.shape_cast %slice3A_10 : vector<1x8x128xf32> to vector<8x128xf32>
    %add3A = arith.addf %squeeze3A, %squeeze3A_11 : vector<8x128xf32>
    %add3A_12 = arith.constant 1.000000e+00 : f32
    %add3A_13 = vector.broadcast %add3A_12 : f32 to vector<8x128xf32>
    %add3A_14 = arith.addf %add3A, %add3A_13 : vector<8x128xf32>
    %rsqrt3A = math.rsqrt %add3A_14 : vector<8x128xf32>
    %iota3A = tpu.iota {dimensions = array<i32: 0>} : vector<128x128xi32>
    %iota3A_15 = tpu.iota {dimensions = array<i32: 1>} : vector<128x128xi32>
    %eq3A = arith.cmpi eq, %iota3A, %iota3A_15 : vector<128x128xi32>
    %broadcast_in_dim3A = arith.constant 1.000000e+00 : f32
    %broadcast_in_dim3A_16 = vector.broadcast %broadcast_in_dim3A : f32 to vector<128x128xf32>
    %slice3A_17 = vector.extract_strided_slice %rsqrt3A {offsets = [0, 0], sizes = [1, 128], strides = [1, 1]} : vector<8x128xf32> to vector<1x128xf32>
    %broadcast_in_dim3A_18 = vector.shape_cast %slice3A_17 : vector<1x128xf32> to vector<1x128xf32>
    %broadcast_in_dim3A_19 = vector.broadcast %broadcast_in_dim3A_18 : vector<1x128xf32> to vector<128x128xf32>
    %jit3A = arith.constant 0.000000e+00 : f32
    %broadcast_in_dim3A_20 = vector.broadcast %jit3A : f32 to vector<128x128xf32>
    %select_n3A = arith.select %eq3A, %broadcast_in_dim3A_19, %broadcast_in_dim3A_20 : vector<128x128xi1>, vector<128x128xf32>
    %dot_general3A_21 = arith.constant dense<0.000000e+00> : vector<128x128xf32>
    %dot_general3A_22 = tpu.matmul %select_n3A, %broadcast_in_dim3A_16, %dot_general3A_21 {dimension_numbers = #tpu.dot_dimension_numbers<[1], [0], [0], [1], [0, 0, 1, 1], [], []>, transpose_lhs_hint = false} : vector<128x128xf32>, vector<128x128xf32>, vector<128x128xf32> -> vector<128x128xf32>
    %slice3A_23 = vector.extract_strided_slice %rsqrt3A {offsets = [1, 0], sizes = [1, 128], strides = [1, 1]} : vector<8x128xf32> to vector<1x128xf32>
    %broadcast_in_dim3A_24 = vector.shape_cast %slice3A_23 : vector<1x128xf32> to vector<1x128xf32>
    %broadcast_in_dim3A_25 = vector.broadcast %broadcast_in_dim3A_24 : vector<1x128xf32> to vector<128x128xf32>
    %jit3A_26 = arith.constant 0.000000e+00 : f32
    %broadcast_in_dim3A_27 = vector.broadcast %jit3A_26 : f32 to vector<128x128xf32>
    %select_n3A_28 = arith.select %eq3A, %broadcast_in_dim3A_25, %broadcast_in_dim3A_27 : vector<128x128xi1>, vector<128x128xf32>
    %dot_general3A_29 = arith.constant dense<0.000000e+00> : vector<128x128xf32>
    %dot_general3A_30 = tpu.matmul %select_n3A_28, %broadcast_in_dim3A_16, %dot_general3A_29 {dimension_numbers = #tpu.dot_dimension_numbers<[1], [0], [0], [1], [0, 0, 1, 1], [], []>, transpose_lhs_hint = false} : vector<128x128xf32>, vector<128x128xf32>, vector<128x128xf32> -> vector<128x128xf32>
    %slice3A_31 = vector.extract_strided_slice %rsqrt3A {offsets = [2, 0], sizes = [1, 128], strides = [1, 1]} : vector<8x128xf32> to vector<1x128xf32>
    %broadcast_in_dim3A_32 = vector.shape_cast %slice3A_31 : vector<1x128xf32> to vector<1x128xf32>
    %broadcast_in_dim3A_33 = vector.broadcast %broadcast_in_dim3A_32 : vector<1x128xf32> to vector<128x128xf32>
    %jit3A_34 = arith.constant 0.000000e+00 : f32
    %broadcast_in_dim3A_35 = vector.broadcast %jit3A_34 : f32 to vector<128x128xf32>
    %select_n3A_36 = arith.select %eq3A, %broadcast_in_dim3A_33, %broadcast_in_dim3A_35 : vector<128x128xi1>, vector<128x128xf32>
    %dot_general3A_37 = arith.constant dense<0.000000e+00> : vector<128x128xf32>
    %dot_general3A_38 = tpu.matmul %select_n3A_36, %broadcast_in_dim3A_16, %dot_general3A_37 {dimension_numbers = #tpu.dot_dimension_numbers<[1], [0], [0], [1], [0, 0, 1, 1], [], []>, transpose_lhs_hint = false} : vector<128x128xf32>, vector<128x128xf32>, vector<128x128xf32> -> vector<128x128xf32>
    %slice3A_39 = vector.extract_strided_slice %rsqrt3A {offsets = [3, 0], sizes = [1, 128], strides = [1, 1]} : vector<8x128xf32> to vector<1x128xf32>
    %broadcast_in_dim3A_40 = vector.shape_cast %slice3A_39 : vector<1x128xf32> to vector<1x128xf32>
    %broadcast_in_dim3A_41 = vector.broadcast %broadcast_in_dim3A_40 : vector<1x128xf32> to vector<128x128xf32>
    %jit3A_42 = arith.constant 0.000000e+00 : f32
    %broadcast_in_dim3A_43 = vector.broadcast %jit3A_42 : f32 to vector<128x128xf32>
    %select_n3A_44 = arith.select %eq3A, %broadcast_in_dim3A_41, %broadcast_in_dim3A_43 : vector<128x128xi1>, vector<128x128xf32>
    %dot_general3A_45 = arith.constant dense<0.000000e+00> : vector<128x128xf32>
    %dot_general3A_46 = tpu.matmul %select_n3A_44, %broadcast_in_dim3A_16, %dot_general3A_45 {dimension_numbers = #tpu.dot_dimension_numbers<[1], [0], [0], [1], [0, 0, 1, 1], [], []>, transpose_lhs_hint = false} : vector<128x128xf32>, vector<128x128xf32>, vector<128x128xf32> -> vector<128x128xf32>
    %slice3A_47 = vector.extract_strided_slice %rsqrt3A {offsets = [4, 0], sizes = [1, 128], strides = [1, 1]} : vector<8x128xf32> to vector<1x128xf32>
    %broadcast_in_dim3A_48 = vector.shape_cast %slice3A_47 : vector<1x128xf32> to vector<1x128xf32>
    %broadcast_in_dim3A_49 = vector.broadcast %broadcast_in_dim3A_48 : vector<1x128xf32> to vector<128x128xf32>
    %jit3A_50 = arith.constant 0.000000e+00 : f32
    %broadcast_in_dim3A_51 = vector.broadcast %jit3A_50 : f32 to vector<128x128xf32>
    %select_n3A_52 = arith.select %eq3A, %broadcast_in_dim3A_49, %broadcast_in_dim3A_51 : vector<128x128xi1>, vector<128x128xf32>
    %dot_general3A_53 = arith.constant dense<0.000000e+00> : vector<128x128xf32>
    %dot_general3A_54 = tpu.matmul %select_n3A_52, %broadcast_in_dim3A_16, %dot_general3A_53 {dimension_numbers = #tpu.dot_dimension_numbers<[1], [0], [0], [1], [0, 0, 1, 1], [], []>, transpose_lhs_hint = false} : vector<128x128xf32>, vector<128x128xf32>, vector<128x128xf32> -> vector<128x128xf32>
    %slice3A_55 = vector.extract_strided_slice %rsqrt3A {offsets = [5, 0], sizes = [1, 128], strides = [1, 1]} : vector<8x128xf32> to vector<1x128xf32>
    %broadcast_in_dim3A_56 = vector.shape_cast %slice3A_55 : vector<1x128xf32> to vector<1x128xf32>
    %broadcast_in_dim3A_57 = vector.broadcast %broadcast_in_dim3A_56 : vector<1x128xf32> to vector<128x128xf32>
    %jit3A_58 = arith.constant 0.000000e+00 : f32
    %broadcast_in_dim3A_59 = vector.broadcast %jit3A_58 : f32 to vector<128x128xf32>
    %select_n3A_60 = arith.select %eq3A, %broadcast_in_dim3A_57, %broadcast_in_dim3A_59 : vector<128x128xi1>, vector<128x128xf32>
    %dot_general3A_61 = arith.constant dense<0.000000e+00> : vector<128x128xf32>
    %dot_general3A_62 = tpu.matmul %select_n3A_60, %broadcast_in_dim3A_16, %dot_general3A_61 {dimension_numbers = #tpu.dot_dimension_numbers<[1], [0], [0], [1], [0, 0, 1, 1], [], []>, transpose_lhs_hint = false} : vector<128x128xf32>, vector<128x128xf32>, vector<128x128xf32> -> vector<128x128xf32>
    %slice3A_63 = vector.extract_strided_slice %rsqrt3A {offsets = [6, 0], sizes = [1, 128], strides = [1, 1]} : vector<8x128xf32> to vector<1x128xf32>
    %broadcast_in_dim3A_64 = vector.shape_cast %slice3A_63 : vector<1x128xf32> to vector<1x128xf32>
    %broadcast_in_dim3A_65 = vector.broadcast %broadcast_in_dim3A_64 : vector<1x128xf32> to vector<128x128xf32>
    %jit3A_66 = arith.constant 0.000000e+00 : f32
    %broadcast_in_dim3A_67 = vector.broadcast %jit3A_66 : f32 to vector<128x128xf32>
    %select_n3A_68 = arith.select %eq3A, %broadcast_in_dim3A_65, %broadcast_in_dim3A_67 : vector<128x128xi1>, vector<128x128xf32>
    %dot_general3A_69 = arith.constant dense<0.000000e+00> : vector<128x128xf32>
    %dot_general3A_70 = tpu.matmul %select_n3A_68, %broadcast_in_dim3A_16, %dot_general3A_69 {dimension_numbers = #tpu.dot_dimension_numbers<[1], [0], [0], [1], [0, 0, 1, 1], [], []>, transpose_lhs_hint = false} : vector<128x128xf32>, vector<128x128xf32>, vector<128x128xf32> -> vector<128x128xf32>
    %slice3A_71 = vector.extract_strided_slice %rsqrt3A {offsets = [7, 0], sizes = [1, 128], strides = [1, 1]} : vector<8x128xf32> to vector<1x128xf32>
    %broadcast_in_dim3A_72 = vector.shape_cast %slice3A_71 : vector<1x128xf32> to vector<1x128xf32>
    %broadcast_in_dim3A_73 = vector.broadcast %broadcast_in_dim3A_72 : vector<1x128xf32> to vector<128x128xf32>
    %jit3A_74 = arith.constant 0.000000e+00 : f32
    %broadcast_in_dim3A_75 = vector.broadcast %jit3A_74 : f32 to vector<128x128xf32>
    %select_n3A_76 = arith.select %eq3A, %broadcast_in_dim3A_73, %broadcast_in_dim3A_75 : vector<128x128xi1>, vector<128x128xf32>
    %dot_general3A_77 = arith.constant dense<0.000000e+00> : vector<128x128xf32>
    %dot_general3A_78 = tpu.matmul %select_n3A_76, %broadcast_in_dim3A_16, %dot_general3A_77 {dimension_numbers = #tpu.dot_dimension_numbers<[1], [0], [0], [1], [0, 0, 1, 1], [], []>, transpose_lhs_hint = false} : vector<128x128xf32>, vector<128x128xf32>, vector<128x128xf32> -> vector<128x128xf32>
    %concatenate3A = tpu.concatenate %dot_general3A_22, %dot_general3A_30, %dot_general3A_38, %dot_general3A_46, %dot_general3A_54, %dot_general3A_62, %dot_general3A_70, %dot_general3A_78 in 0 : vector<128x128xf32>, vector<128x128xf32>, vector<128x128xf32>, vector<128x128xf32>, vector<128x128xf32>, vector<128x128xf32>, vector<128x128xf32>, vector<128x128xf32> -> vector<1024x128xf32>
    %mul3A = arith.mulf %dot_general3A_5, %concatenate3A : vector<1024x128xf32>
    %swap3A = arith.constant 0 : index
    %swap3A_79 = arith.constant 0 : index
    %swap3A_80 = vector.load %arg4[%swap3A, %swap3A_79] : memref<1024x128xf32, #tpu.memory_space<vmem>>, vector<1024x128xf32>
    tpu.vector_store %arg4[%swap3A, %swap3A_79], %mul3A {strides = array<i32>} : memref<1024x128xf32, #tpu.memory_space<vmem>>, vector<1024x128xf32>,
    return
  }
  func.func @transform_0(%arg0: i32) -> (i32, i32) {
    %c0_i32 = arith.constant 0 : i32
    %c0_i32_0 = arith.constant 0 : i32
    return %arg0, %c0_i32 : i32, i32
  }
  func.func @transform_1(%arg0: i32) -> (i32, i32) {
    %c0_i32 = arith.constant 0 : i32
    %c0_i32_0 = arith.constant 0 : i32
    %c0_i32_1 = arith.constant 0 : i32
    return %c0_i32, %c0_i32_0 : i32, i32
  }
  func.func @transform_2(%arg0: i32) -> (i32, i32, i32) {
    %c0_i32 = arith.constant 0 : i32
    %c0_i32_0 = arith.constant 0 : i32
    %c0_i32_1 = arith.constant 0 : i32
    return %c0_i32, %arg0, %c0_i32_0 : i32, i32, i32
  }
  func.func @transform_3(%arg0: i32) -> (i32, i32) {
    %c0_i32 = arith.constant 0 : i32
    %c0_i32_0 = arith.constant 0 : i32
    return %arg0, %c0_i32 : i32, i32
  }
}

module attributes {stable_mosaic.version = 14 : i64} {
  func.func @body(%arg0: i32, %arg1: memref<2x1024x128xf32, #tpu.memory_space<vmem>>, %arg2: memref<1024x128xf32, #tpu.memory_space<vmem>>, %arg3: memref<2x8x128xf32, #tpu.memory_space<vmem>>, %arg4: memref<1x128xf32, #tpu.memory_space<vmem>>, %arg5: memref<1024x128xf32, #tpu.memory_space<vmem>>) attributes {dimension_semantics = [#tpu.dimension_semantics<arbitrary>], iteration_bounds = array<i64: 10>, scalar_prefetch = 0 : i64, scratch_operands = 0 : i64, tpu.core_type = #tpu.core_type<tc>, window_params = [{transform_indices = @transform_0, window_bounds = array<i64: 2, 1024, 128>}, {transform_indices = @transform_1, window_bounds = array<i64: 1024, 128>}, {transform_indices = @transform_2, window_bounds = array<i64: 2, 8, 128>}, {pipeline_mode = #tpu.pipeline_mode<synchronous>, transform_indices = @transform_3, window_bounds = array<i64: 1, 128>}, {transform_indices = @transform_4, window_bounds = array<i64: 1024, 128>}]} {
    %get3A = arith.constant 0 : index
    %get3A_0 = arith.constant 0 : index
    %get3A_1 = arith.constant 0 : index
    %get3A_2 = vector.load %arg3[%get3A, %get3A_0, %get3A_1] : memref<2x8x128xf32, #tpu.memory_space<vmem>>, vector<2x8x128xf32>
    %slice3A = vector.extract_strided_slice %get3A_2 {offsets = [0, 0, 0], sizes = [1, 8, 128], strides = [1, 1, 1]} : vector<2x8x128xf32> to vector<1x8x128xf32>
    %squeeze3A = vector.shape_cast %slice3A : vector<1x8x128xf32> to vector<8x128xf32>
    %slice3A_3 = vector.extract_strided_slice %get3A_2 {offsets = [1, 0, 0], sizes = [1, 8, 128], strides = [1, 1, 1]} : vector<2x8x128xf32> to vector<1x8x128xf32>
    %squeeze3A_4 = vector.shape_cast %slice3A_3 : vector<1x8x128xf32> to vector<8x128xf32>
    %add3A = arith.addf %squeeze3A, %squeeze3A_4 : vector<8x128xf32>
    %add3A_5 = arith.constant 1.000000e+00 : f32
    %add3A_6 = vector.broadcast %add3A_5 : f32 to vector<8x128xf32>
    %add3A_7 = arith.addf %add3A, %add3A_6 : vector<8x128xf32>
    %rsqrt3A = math.rsqrt %add3A_7 : vector<8x128xf32>
    %iota3A = tpu.iota {dimensions = array<i32: 0>} : vector<128x128xi32>
    %iota3A_8 = tpu.iota {dimensions = array<i32: 1>} : vector<128x128xi32>
    %eq3A = arith.cmpi eq, %iota3A, %iota3A_8 : vector<128x128xi32>
    %broadcast_in_dim3A = arith.constant 1.000000e+00 : f32
    %broadcast_in_dim3A_9 = vector.broadcast %broadcast_in_dim3A : f32 to vector<128x128xf32>
    %slice3A_10 = vector.extract_strided_slice %rsqrt3A {offsets = [0, 0], sizes = [1, 128], strides = [1, 1]} : vector<8x128xf32> to vector<1x128xf32>
    %broadcast_in_dim3A_11 = vector.shape_cast %slice3A_10 : vector<1x128xf32> to vector<1x128xf32>
    %broadcast_in_dim3A_12 = vector.broadcast %broadcast_in_dim3A_11 : vector<1x128xf32> to vector<128x128xf32>
    %jit3A = arith.constant 0.000000e+00 : f32
    %broadcast_in_dim3A_13 = vector.broadcast %jit3A : f32 to vector<128x128xf32>
    %select_n3A = arith.select %eq3A, %broadcast_in_dim3A_12, %broadcast_in_dim3A_13 : vector<128x128xi1>, vector<128x128xf32>
    %dot_general3A = arith.constant dense<0.000000e+00> : vector<128x128xf32>
    %dot_general3A_14 = tpu.matmul %select_n3A, %broadcast_in_dim3A_9, %dot_general3A {dimension_numbers = #tpu.dot_dimension_numbers<[1], [0], [0], [1], [0, 0, 1, 1], [], []>, transpose_lhs_hint = false} : vector<128x128xf32>, vector<128x128xf32>, vector<128x128xf32> -> vector<128x128xf32>
    %slice3A_15 = vector.extract_strided_slice %rsqrt3A {offsets = [1, 0], sizes = [1, 128], strides = [1, 1]} : vector<8x128xf32> to vector<1x128xf32>
    %broadcast_in_dim3A_16 = vector.shape_cast %slice3A_15 : vector<1x128xf32> to vector<1x128xf32>
    %broadcast_in_dim3A_17 = vector.broadcast %broadcast_in_dim3A_16 : vector<1x128xf32> to vector<128x128xf32>
    %jit3A_18 = arith.constant 0.000000e+00 : f32
    %broadcast_in_dim3A_19 = vector.broadcast %jit3A_18 : f32 to vector<128x128xf32>
    %select_n3A_20 = arith.select %eq3A, %broadcast_in_dim3A_17, %broadcast_in_dim3A_19 : vector<128x128xi1>, vector<128x128xf32>
    %dot_general3A_21 = arith.constant dense<0.000000e+00> : vector<128x128xf32>
    %dot_general3A_22 = tpu.matmul %select_n3A_20, %broadcast_in_dim3A_9, %dot_general3A_21 {dimension_numbers = #tpu.dot_dimension_numbers<[1], [0], [0], [1], [0, 0, 1, 1], [], []>, transpose_lhs_hint = false} : vector<128x128xf32>, vector<128x128xf32>, vector<128x128xf32> -> vector<128x128xf32>
    %slice3A_23 = vector.extract_strided_slice %rsqrt3A {offsets = [2, 0], sizes = [1, 128], strides = [1, 1]} : vector<8x128xf32> to vector<1x128xf32>
    %broadcast_in_dim3A_24 = vector.shape_cast %slice3A_23 : vector<1x128xf32> to vector<1x128xf32>
    %broadcast_in_dim3A_25 = vector.broadcast %broadcast_in_dim3A_24 : vector<1x128xf32> to vector<128x128xf32>
    %jit3A_26 = arith.constant 0.000000e+00 : f32
    %broadcast_in_dim3A_27 = vector.broadcast %jit3A_26 : f32 to vector<128x128xf32>
    %select_n3A_28 = arith.select %eq3A, %broadcast_in_dim3A_25, %broadcast_in_dim3A_27 : vector<128x128xi1>, vector<128x128xf32>
    %dot_general3A_29 = arith.constant dense<0.000000e+00> : vector<128x128xf32>
    %dot_general3A_30 = tpu.matmul %select_n3A_28, %broadcast_in_dim3A_9, %dot_general3A_29 {dimension_numbers = #tpu.dot_dimension_numbers<[1], [0], [0], [1], [0, 0, 1, 1], [], []>, transpose_lhs_hint = false} : vector<128x128xf32>, vector<128x128xf32>, vector<128x128xf32> -> vector<128x128xf32>
    %slice3A_31 = vector.extract_strided_slice %rsqrt3A {offsets = [3, 0], sizes = [1, 128], strides = [1, 1]} : vector<8x128xf32> to vector<1x128xf32>
    %broadcast_in_dim3A_32 = vector.shape_cast %slice3A_31 : vector<1x128xf32> to vector<1x128xf32>
    %broadcast_in_dim3A_33 = vector.broadcast %broadcast_in_dim3A_32 : vector<1x128xf32> to vector<128x128xf32>
    %jit3A_34 = arith.constant 0.000000e+00 : f32
    %broadcast_in_dim3A_35 = vector.broadcast %jit3A_34 : f32 to vector<128x128xf32>
    %select_n3A_36 = arith.select %eq3A, %broadcast_in_dim3A_33, %broadcast_in_dim3A_35 : vector<128x128xi1>, vector<128x128xf32>
    %dot_general3A_37 = arith.constant dense<0.000000e+00> : vector<128x128xf32>
    %dot_general3A_38 = tpu.matmul %select_n3A_36, %broadcast_in_dim3A_9, %dot_general3A_37 {dimension_numbers = #tpu.dot_dimension_numbers<[1], [0], [0], [1], [0, 0, 1, 1], [], []>, transpose_lhs_hint = false} : vector<128x128xf32>, vector<128x128xf32>, vector<128x128xf32> -> vector<128x128xf32>
    %slice3A_39 = vector.extract_strided_slice %rsqrt3A {offsets = [4, 0], sizes = [1, 128], strides = [1, 1]} : vector<8x128xf32> to vector<1x128xf32>
    %broadcast_in_dim3A_40 = vector.shape_cast %slice3A_39 : vector<1x128xf32> to vector<1x128xf32>
    %broadcast_in_dim3A_41 = vector.broadcast %broadcast_in_dim3A_40 : vector<1x128xf32> to vector<128x128xf32>
    %jit3A_42 = arith.constant 0.000000e+00 : f32
    %broadcast_in_dim3A_43 = vector.broadcast %jit3A_42 : f32 to vector<128x128xf32>
    %select_n3A_44 = arith.select %eq3A, %broadcast_in_dim3A_41, %broadcast_in_dim3A_43 : vector<128x128xi1>, vector<128x128xf32>
    %dot_general3A_45 = arith.constant dense<0.000000e+00> : vector<128x128xf32>
    %dot_general3A_46 = tpu.matmul %select_n3A_44, %broadcast_in_dim3A_9, %dot_general3A_45 {dimension_numbers = #tpu.dot_dimension_numbers<[1], [0], [0], [1], [0, 0, 1, 1], [], []>, transpose_lhs_hint = false} : vector<128x128xf32>, vector<128x128xf32>, vector<128x128xf32> -> vector<128x128xf32>
    %slice3A_47 = vector.extract_strided_slice %rsqrt3A {offsets = [5, 0], sizes = [1, 128], strides = [1, 1]} : vector<8x128xf32> to vector<1x128xf32>
    %broadcast_in_dim3A_48 = vector.shape_cast %slice3A_47 : vector<1x128xf32> to vector<1x128xf32>
    %broadcast_in_dim3A_49 = vector.broadcast %broadcast_in_dim3A_48 : vector<1x128xf32> to vector<128x128xf32>
    %jit3A_50 = arith.constant 0.000000e+00 : f32
    %broadcast_in_dim3A_51 = vector.broadcast %jit3A_50 : f32 to vector<128x128xf32>
    %select_n3A_52 = arith.select %eq3A, %broadcast_in_dim3A_49, %broadcast_in_dim3A_51 : vector<128x128xi1>, vector<128x128xf32>
    %dot_general3A_53 = arith.constant dense<0.000000e+00> : vector<128x128xf32>
    %dot_general3A_54 = tpu.matmul %select_n3A_52, %broadcast_in_dim3A_9, %dot_general3A_53 {dimension_numbers = #tpu.dot_dimension_numbers<[1], [0], [0], [1], [0, 0, 1, 1], [], []>, transpose_lhs_hint = false} : vector<128x128xf32>, vector<128x128xf32>, vector<128x128xf32> -> vector<128x128xf32>
    %slice3A_55 = vector.extract_strided_slice %rsqrt3A {offsets = [6, 0], sizes = [1, 128], strides = [1, 1]} : vector<8x128xf32> to vector<1x128xf32>
    %broadcast_in_dim3A_56 = vector.shape_cast %slice3A_55 : vector<1x128xf32> to vector<1x128xf32>
    %broadcast_in_dim3A_57 = vector.broadcast %broadcast_in_dim3A_56 : vector<1x128xf32> to vector<128x128xf32>
    %jit3A_58 = arith.constant 0.000000e+00 : f32
    %broadcast_in_dim3A_59 = vector.broadcast %jit3A_58 : f32 to vector<128x128xf32>
    %select_n3A_60 = arith.select %eq3A, %broadcast_in_dim3A_57, %broadcast_in_dim3A_59 : vector<128x128xi1>, vector<128x128xf32>
    %dot_general3A_61 = arith.constant dense<0.000000e+00> : vector<128x128xf32>
    %dot_general3A_62 = tpu.matmul %select_n3A_60, %broadcast_in_dim3A_9, %dot_general3A_61 {dimension_numbers = #tpu.dot_dimension_numbers<[1], [0], [0], [1], [0, 0, 1, 1], [], []>, transpose_lhs_hint = false} : vector<128x128xf32>, vector<128x128xf32>, vector<128x128xf32> -> vector<128x128xf32>
    %slice3A_63 = vector.extract_strided_slice %rsqrt3A {offsets = [7, 0], sizes = [1, 128], strides = [1, 1]} : vector<8x128xf32> to vector<1x128xf32>
    %broadcast_in_dim3A_64 = vector.shape_cast %slice3A_63 : vector<1x128xf32> to vector<1x128xf32>
    %broadcast_in_dim3A_65 = vector.broadcast %broadcast_in_dim3A_64 : vector<1x128xf32> to vector<128x128xf32>
    %jit3A_66 = arith.constant 0.000000e+00 : f32
    %broadcast_in_dim3A_67 = vector.broadcast %jit3A_66 : f32 to vector<128x128xf32>
    %select_n3A_68 = arith.select %eq3A, %broadcast_in_dim3A_65, %broadcast_in_dim3A_67 : vector<128x128xi1>, vector<128x128xf32>
    %dot_general3A_69 = arith.constant dense<0.000000e+00> : vector<128x128xf32>
    %dot_general3A_70 = tpu.matmul %select_n3A_68, %broadcast_in_dim3A_9, %dot_general3A_69 {dimension_numbers = #tpu.dot_dimension_numbers<[1], [0], [0], [1], [0, 0, 1, 1], [], []>, transpose_lhs_hint = false} : vector<128x128xf32>, vector<128x128xf32>, vector<128x128xf32> -> vector<128x128xf32>
    %concatenate3A = tpu.concatenate %dot_general3A_14, %dot_general3A_22, %dot_general3A_30, %dot_general3A_38, %dot_general3A_46, %dot_general3A_54, %dot_general3A_62, %dot_general3A_70 in 0 : vector<128x128xf32>, vector<128x128xf32>, vector<128x128xf32>, vector<128x128xf32>, vector<128x128xf32>, vector<128x128xf32>, vector<128x128xf32>, vector<128x128xf32> -> vector<1024x128xf32>
    %get3A_71 = arith.constant 0 : index
    %get3A_72 = arith.constant 0 : index
    %get3A_73 = arith.constant 0 : index
    %get3A_74 = vector.load %arg1[%get3A_71, %get3A_72, %get3A_73] : memref<2x1024x128xf32, #tpu.memory_space<vmem>>, vector<1x1024x128xf32>
    %get3A_75 = vector.shape_cast %get3A_74 : vector<1x1024x128xf32> to vector<1024x128xf32>
    %get3A_76 = arith.constant 1 : index
    %get3A_77 = arith.constant 0 : index
    %get3A_78 = arith.constant 0 : index
    %get3A_79 = vector.load %arg1[%get3A_76, %get3A_77, %get3A_78] : memref<2x1024x128xf32, #tpu.memory_space<vmem>>, vector<1x1024x128xf32>
    %get3A_80 = vector.shape_cast %get3A_79 : vector<1x1024x128xf32> to vector<1024x128xf32>
    %add3A_81 = arith.addf %get3A_75, %get3A_80 : vector<1024x128xf32>
    %get3A_82 = arith.constant 0 : index
    %get3A_83 = arith.constant 0 : index
    %get3A_84 = vector.load %arg2[%get3A_82, %get3A_83] : memref<1024x128xf32, #tpu.memory_space<vmem>>, vector<1024x128xf32>
    %add3A_85 = arith.addf %add3A_81, %get3A_84 : vector<1024x128xf32>
    %mul3A = arith.mulf %concatenate3A, %add3A_85 : vector<1024x128xf32>
    %get3A_86 = arith.constant 0 : index
    %get3A_87 = arith.constant 0 : index
    %get3A_88 = vector.load %arg4[%get3A_86, %get3A_87] : memref<1x128xf32, #tpu.memory_space<vmem>>, vector<1x128xf32>
    %add3A_89 = vector.broadcast %get3A_88 : vector<1x128xf32> to vector<1024x128xf32>
    %add3A_90 = arith.addf %mul3A, %add3A_89 : vector<1024x128xf32>
    %max3A = arith.constant 0.000000e+00 : f32
    %max3A_91 = vector.broadcast %max3A : f32 to vector<1024x128xf32>
    %max3A_92 = arith.maximumf %add3A_90, %max3A_91 : vector<1024x128xf32>
    %mul3A_93 = arith.mulf %concatenate3A, %max3A_92 : vector<1024x128xf32>
    %swap3A = arith.constant 0 : index
    %swap3A_94 = arith.constant 0 : index
    %swap3A_95 = vector.load %arg5[%swap3A, %swap3A_94] : memref<1024x128xf32, #tpu.memory_space<vmem>>, vector<1024x128xf32>
    tpu.vector_store %arg5[%swap3A, %swap3A_94], %mul3A_93 {strides = array<i32>} : memref<1024x128xf32, #tpu.memory_space<vmem>>, vector<1024x128xf32>,
    return
  }
  func.func @transform_0(%arg0: i32) -> (i32, i32, i32) {
    %c0_i32 = arith.constant 0 : i32
    %c0_i32_0 = arith.constant 0 : i32
    %c0_i32_1 = arith.constant 0 : i32
    return %c0_i32, %arg0, %c0_i32_0 : i32, i32, i32
  }
  func.func @transform_1(%arg0: i32) -> (i32, i32) {
    %c0_i32 = arith.constant 0 : i32
    %c0_i32_0 = arith.constant 0 : i32
    return %arg0, %c0_i32 : i32, i32
  }
  func.func @transform_2(%arg0: i32) -> (i32, i32, i32) {
    %c0_i32 = arith.constant 0 : i32
    %c0_i32_0 = arith.constant 0 : i32
    %c0_i32_1 = arith.constant 0 : i32
    return %c0_i32, %arg0, %c0_i32_0 : i32, i32, i32
  }
  func.func @transform_3(%arg0: i32) -> (i32, i32) {
    %c0_i32 = arith.constant 0 : i32
    %c0_i32_0 = arith.constant 0 : i32
    %c0_i32_1 = arith.constant 0 : i32
    return %c0_i32, %c0_i32_0 : i32, i32
  }
  func.func @transform_4(%arg0: i32) -> (i32, i32) {
    %c0_i32 = arith.constant 0 : i32
    %c0_i32_0 = arith.constant 0 : i32
    return %arg0, %c0_i32 : i32, i32
  }
}

module attributes {stable_mosaic.version = 14 : i64} {
  func.func @body(%arg0: i32, %arg1: memref<2x1024x128xf32, #tpu.memory_space<vmem>>, %arg2: memref<1024x128xf32, #tpu.memory_space<vmem>>, %arg3: memref<2x8x128xf32, #tpu.memory_space<vmem>>, %arg4: memref<128x128xf32, #tpu.memory_space<vmem>>, %arg5: memref<1x128xf32, #tpu.memory_space<vmem>>, %arg6: memref<1024x128xf32, #tpu.memory_space<vmem>>) attributes {dimension_semantics = [#tpu.dimension_semantics<arbitrary>], iteration_bounds = array<i64: 10>, scalar_prefetch = 0 : i64, scratch_operands = 0 : i64, tpu.core_type = #tpu.core_type<tc>, window_params = [{transform_indices = @transform_0, window_bounds = array<i64: 2, 1024, 128>}, {transform_indices = @transform_1, window_bounds = array<i64: 1024, 128>}, {transform_indices = @transform_2, window_bounds = array<i64: 2, 8, 128>}, {pipeline_mode = #tpu.pipeline_mode<synchronous>, transform_indices = @transform_3, window_bounds = array<i64: 128, 128>}, {pipeline_mode = #tpu.pipeline_mode<synchronous>, transform_indices = @transform_4, window_bounds = array<i64: 1, 128>}, {transform_indices = @transform_5, window_bounds = array<i64: 1024, 128>}]} {
    %get3A = arith.constant 0 : index
    %get3A_0 = arith.constant 0 : index
    %get3A_1 = arith.constant 0 : index
    %get3A_2 = vector.load %arg3[%get3A, %get3A_0, %get3A_1] : memref<2x8x128xf32, #tpu.memory_space<vmem>>, vector<2x8x128xf32>
    %slice3A = vector.extract_strided_slice %get3A_2 {offsets = [0, 0, 0], sizes = [1, 8, 128], strides = [1, 1, 1]} : vector<2x8x128xf32> to vector<1x8x128xf32>
    %squeeze3A = vector.shape_cast %slice3A : vector<1x8x128xf32> to vector<8x128xf32>
    %slice3A_3 = vector.extract_strided_slice %get3A_2 {offsets = [1, 0, 0], sizes = [1, 8, 128], strides = [1, 1, 1]} : vector<2x8x128xf32> to vector<1x8x128xf32>
    %squeeze3A_4 = vector.shape_cast %slice3A_3 : vector<1x8x128xf32> to vector<8x128xf32>
    %add3A = arith.addf %squeeze3A, %squeeze3A_4 : vector<8x128xf32>
    %add3A_5 = arith.constant 1.000000e+00 : f32
    %add3A_6 = vector.broadcast %add3A_5 : f32 to vector<8x128xf32>
    %add3A_7 = arith.addf %add3A, %add3A_6 : vector<8x128xf32>
    %rsqrt3A = math.rsqrt %add3A_7 : vector<8x128xf32>
    %iota3A = tpu.iota {dimensions = array<i32: 0>} : vector<128x128xi32>
    %iota3A_8 = tpu.iota {dimensions = array<i32: 1>} : vector<128x128xi32>
    %eq3A = arith.cmpi eq, %iota3A, %iota3A_8 : vector<128x128xi32>
    %broadcast_in_dim3A = arith.constant 1.000000e+00 : f32
    %broadcast_in_dim3A_9 = vector.broadcast %broadcast_in_dim3A : f32 to vector<128x128xf32>
    %slice3A_10 = vector.extract_strided_slice %rsqrt3A {offsets = [0, 0], sizes = [1, 128], strides = [1, 1]} : vector<8x128xf32> to vector<1x128xf32>
    %broadcast_in_dim3A_11 = vector.shape_cast %slice3A_10 : vector<1x128xf32> to vector<1x128xf32>
    %broadcast_in_dim3A_12 = vector.broadcast %broadcast_in_dim3A_11 : vector<1x128xf32> to vector<128x128xf32>
    %jit3A = arith.constant 0.000000e+00 : f32
    %broadcast_in_dim3A_13 = vector.broadcast %jit3A : f32 to vector<128x128xf32>
    %select_n3A = arith.select %eq3A, %broadcast_in_dim3A_12, %broadcast_in_dim3A_13 : vector<128x128xi1>, vector<128x128xf32>
    %dot_general3A = arith.constant dense<0.000000e+00> : vector<128x128xf32>
    %dot_general3A_14 = tpu.matmul %select_n3A, %broadcast_in_dim3A_9, %dot_general3A {dimension_numbers = #tpu.dot_dimension_numbers<[1], [0], [0], [1], [0, 0, 1, 1], [], []>, transpose_lhs_hint = false} : vector<128x128xf32>, vector<128x128xf32>, vector<128x128xf32> -> vector<128x128xf32>
    %slice3A_15 = vector.extract_strided_slice %rsqrt3A {offsets = [1, 0], sizes = [1, 128], strides = [1, 1]} : vector<8x128xf32> to vector<1x128xf32>
    %broadcast_in_dim3A_16 = vector.shape_cast %slice3A_15 : vector<1x128xf32> to vector<1x128xf32>
    %broadcast_in_dim3A_17 = vector.broadcast %broadcast_in_dim3A_16 : vector<1x128xf32> to vector<128x128xf32>
    %jit3A_18 = arith.constant 0.000000e+00 : f32
    %broadcast_in_dim3A_19 = vector.broadcast %jit3A_18 : f32 to vector<128x128xf32>
    %select_n3A_20 = arith.select %eq3A, %broadcast_in_dim3A_17, %broadcast_in_dim3A_19 : vector<128x128xi1>, vector<128x128xf32>
    %dot_general3A_21 = arith.constant dense<0.000000e+00> : vector<128x128xf32>
    %dot_general3A_22 = tpu.matmul %select_n3A_20, %broadcast_in_dim3A_9, %dot_general3A_21 {dimension_numbers = #tpu.dot_dimension_numbers<[1], [0], [0], [1], [0, 0, 1, 1], [], []>, transpose_lhs_hint = false} : vector<128x128xf32>, vector<128x128xf32>, vector<128x128xf32> -> vector<128x128xf32>
    %slice3A_23 = vector.extract_strided_slice %rsqrt3A {offsets = [2, 0], sizes = [1, 128], strides = [1, 1]} : vector<8x128xf32> to vector<1x128xf32>
    %broadcast_in_dim3A_24 = vector.shape_cast %slice3A_23 : vector<1x128xf32> to vector<1x128xf32>
    %broadcast_in_dim3A_25 = vector.broadcast %broadcast_in_dim3A_24 : vector<1x128xf32> to vector<128x128xf32>
    %jit3A_26 = arith.constant 0.000000e+00 : f32
    %broadcast_in_dim3A_27 = vector.broadcast %jit3A_26 : f32 to vector<128x128xf32>
    %select_n3A_28 = arith.select %eq3A, %broadcast_in_dim3A_25, %broadcast_in_dim3A_27 : vector<128x128xi1>, vector<128x128xf32>
    %dot_general3A_29 = arith.constant dense<0.000000e+00> : vector<128x128xf32>
    %dot_general3A_30 = tpu.matmul %select_n3A_28, %broadcast_in_dim3A_9, %dot_general3A_29 {dimension_numbers = #tpu.dot_dimension_numbers<[1], [0], [0], [1], [0, 0, 1, 1], [], []>, transpose_lhs_hint = false} : vector<128x128xf32>, vector<128x128xf32>, vector<128x128xf32> -> vector<128x128xf32>
    %slice3A_31 = vector.extract_strided_slice %rsqrt3A {offsets = [3, 0], sizes = [1, 128], strides = [1, 1]} : vector<8x128xf32> to vector<1x128xf32>
    %broadcast_in_dim3A_32 = vector.shape_cast %slice3A_31 : vector<1x128xf32> to vector<1x128xf32>
    %broadcast_in_dim3A_33 = vector.broadcast %broadcast_in_dim3A_32 : vector<1x128xf32> to vector<128x128xf32>
    %jit3A_34 = arith.constant 0.000000e+00 : f32
    %broadcast_in_dim3A_35 = vector.broadcast %jit3A_34 : f32 to vector<128x128xf32>
    %select_n3A_36 = arith.select %eq3A, %broadcast_in_dim3A_33, %broadcast_in_dim3A_35 : vector<128x128xi1>, vector<128x128xf32>
    %dot_general3A_37 = arith.constant dense<0.000000e+00> : vector<128x128xf32>
    %dot_general3A_38 = tpu.matmul %select_n3A_36, %broadcast_in_dim3A_9, %dot_general3A_37 {dimension_numbers = #tpu.dot_dimension_numbers<[1], [0], [0], [1], [0, 0, 1, 1], [], []>, transpose_lhs_hint = false} : vector<128x128xf32>, vector<128x128xf32>, vector<128x128xf32> -> vector<128x128xf32>
    %slice3A_39 = vector.extract_strided_slice %rsqrt3A {offsets = [4, 0], sizes = [1, 128], strides = [1, 1]} : vector<8x128xf32> to vector<1x128xf32>
    %broadcast_in_dim3A_40 = vector.shape_cast %slice3A_39 : vector<1x128xf32> to vector<1x128xf32>
    %broadcast_in_dim3A_41 = vector.broadcast %broadcast_in_dim3A_40 : vector<1x128xf32> to vector<128x128xf32>
    %jit3A_42 = arith.constant 0.000000e+00 : f32
    %broadcast_in_dim3A_43 = vector.broadcast %jit3A_42 : f32 to vector<128x128xf32>
    %select_n3A_44 = arith.select %eq3A, %broadcast_in_dim3A_41, %broadcast_in_dim3A_43 : vector<128x128xi1>, vector<128x128xf32>
    %dot_general3A_45 = arith.constant dense<0.000000e+00> : vector<128x128xf32>
    %dot_general3A_46 = tpu.matmul %select_n3A_44, %broadcast_in_dim3A_9, %dot_general3A_45 {dimension_numbers = #tpu.dot_dimension_numbers<[1], [0], [0], [1], [0, 0, 1, 1], [], []>, transpose_lhs_hint = false} : vector<128x128xf32>, vector<128x128xf32>, vector<128x128xf32> -> vector<128x128xf32>
    %slice3A_47 = vector.extract_strided_slice %rsqrt3A {offsets = [5, 0], sizes = [1, 128], strides = [1, 1]} : vector<8x128xf32> to vector<1x128xf32>
    %broadcast_in_dim3A_48 = vector.shape_cast %slice3A_47 : vector<1x128xf32> to vector<1x128xf32>
    %broadcast_in_dim3A_49 = vector.broadcast %broadcast_in_dim3A_48 : vector<1x128xf32> to vector<128x128xf32>
    %jit3A_50 = arith.constant 0.000000e+00 : f32
    %broadcast_in_dim3A_51 = vector.broadcast %jit3A_50 : f32 to vector<128x128xf32>
    %select_n3A_52 = arith.select %eq3A, %broadcast_in_dim3A_49, %broadcast_in_dim3A_51 : vector<128x128xi1>, vector<128x128xf32>
    %dot_general3A_53 = arith.constant dense<0.000000e+00> : vector<128x128xf32>
    %dot_general3A_54 = tpu.matmul %select_n3A_52, %broadcast_in_dim3A_9, %dot_general3A_53 {dimension_numbers = #tpu.dot_dimension_numbers<[1], [0], [0], [1], [0, 0, 1, 1], [], []>, transpose_lhs_hint = false} : vector<128x128xf32>, vector<128x128xf32>, vector<128x128xf32> -> vector<128x128xf32>
    %slice3A_55 = vector.extract_strided_slice %rsqrt3A {offsets = [6, 0], sizes = [1, 128], strides = [1, 1]} : vector<8x128xf32> to vector<1x128xf32>
    %broadcast_in_dim3A_56 = vector.shape_cast %slice3A_55 : vector<1x128xf32> to vector<1x128xf32>
    %broadcast_in_dim3A_57 = vector.broadcast %broadcast_in_dim3A_56 : vector<1x128xf32> to vector<128x128xf32>
    %jit3A_58 = arith.constant 0.000000e+00 : f32
    %broadcast_in_dim3A_59 = vector.broadcast %jit3A_58 : f32 to vector<128x128xf32>
    %select_n3A_60 = arith.select %eq3A, %broadcast_in_dim3A_57, %broadcast_in_dim3A_59 : vector<128x128xi1>, vector<128x128xf32>
    %dot_general3A_61 = arith.constant dense<0.000000e+00> : vector<128x128xf32>
    %dot_general3A_62 = tpu.matmul %select_n3A_60, %broadcast_in_dim3A_9, %dot_general3A_61 {dimension_numbers = #tpu.dot_dimension_numbers<[1], [0], [0], [1], [0, 0, 1, 1], [], []>, transpose_lhs_hint = false} : vector<128x128xf32>, vector<128x128xf32>, vector<128x128xf32> -> vector<128x128xf32>
    %slice3A_63 = vector.extract_strided_slice %rsqrt3A {offsets = [7, 0], sizes = [1, 128], strides = [1, 1]} : vector<8x128xf32> to vector<1x128xf32>
    %broadcast_in_dim3A_64 = vector.shape_cast %slice3A_63 : vector<1x128xf32> to vector<1x128xf32>
    %broadcast_in_dim3A_65 = vector.broadcast %broadcast_in_dim3A_64 : vector<1x128xf32> to vector<128x128xf32>
    %jit3A_66 = arith.constant 0.000000e+00 : f32
    %broadcast_in_dim3A_67 = vector.broadcast %jit3A_66 : f32 to vector<128x128xf32>
    %select_n3A_68 = arith.select %eq3A, %broadcast_in_dim3A_65, %broadcast_in_dim3A_67 : vector<128x128xi1>, vector<128x128xf32>
    %dot_general3A_69 = arith.constant dense<0.000000e+00> : vector<128x128xf32>
    %dot_general3A_70 = tpu.matmul %select_n3A_68, %broadcast_in_dim3A_9, %dot_general3A_69 {dimension_numbers = #tpu.dot_dimension_numbers<[1], [0], [0], [1], [0, 0, 1, 1], [], []>, transpose_lhs_hint = false} : vector<128x128xf32>, vector<128x128xf32>, vector<128x128xf32> -> vector<128x128xf32>
    %concatenate3A = tpu.concatenate %dot_general3A_14, %dot_general3A_22, %dot_general3A_30, %dot_general3A_38, %dot_general3A_46, %dot_general3A_54, %dot_general3A_62, %dot_general3A_70 in 0 : vector<128x128xf32>, vector<128x128xf32>, vector<128x128xf32>, vector<128x128xf32>, vector<128x128xf32>, vector<128x128xf32>, vector<128x128xf32>, vector<128x128xf32> -> vector<1024x128xf32>
    %get3A_71 = arith.constant 0 : index
    %get3A_72 = arith.constant 0 : index
    %get3A_73 = arith.constant 0 : index
    %get3A_74 = vector.load %arg1[%get3A_71, %get3A_72, %get3A_73] : memref<2x1024x128xf32, #tpu.memory_space<vmem>>, vector<1x1024x128xf32>
    %get3A_75 = vector.shape_cast %get3A_74 : vector<1x1024x128xf32> to vector<1024x128xf32>
    %get3A_76 = arith.constant 1 : index
    %get3A_77 = arith.constant 0 : index
    %get3A_78 = arith.constant 0 : index
    %get3A_79 = vector.load %arg1[%get3A_76, %get3A_77, %get3A_78] : memref<2x1024x128xf32, #tpu.memory_space<vmem>>, vector<1x1024x128xf32>
    %get3A_80 = vector.shape_cast %get3A_79 : vector<1x1024x128xf32> to vector<1024x128xf32>
    %add3A_81 = arith.addf %get3A_75, %get3A_80 : vector<1024x128xf32>
    %get3A_82 = arith.constant 0 : index
    %get3A_83 = arith.constant 0 : index
    %get3A_84 = vector.load %arg2[%get3A_82, %get3A_83] : memref<1024x128xf32, #tpu.memory_space<vmem>>, vector<1024x128xf32>
    %add3A_85 = arith.addf %add3A_81, %get3A_84 : vector<1024x128xf32>
    %mul3A = arith.mulf %concatenate3A, %add3A_85 : vector<1024x128xf32>
    %get3A_86 = arith.constant 0 : index
    %get3A_87 = arith.constant 0 : index
    %get3A_88 = vector.load %arg4[%get3A_86, %get3A_87] : memref<128x128xf32, #tpu.memory_space<vmem>>, vector<128x128xf32>
    %dot_general3A_89 = arith.constant dense<0.000000e+00> : vector<1024x128xf32>
    %dot_general3A_90 = tpu.matmul %mul3A, %get3A_88, %dot_general3A_89 {dimension_numbers = #tpu.dot_dimension_numbers<[1], [0], [0], [1], [0, 0, 1, 1], [], []>, transpose_lhs_hint = false} : vector<1024x128xf32>, vector<128x128xf32>, vector<1024x128xf32> -> vector<1024x128xf32>
    %get3A_91 = arith.constant 0 : index
    %get3A_92 = arith.constant 0 : index
    %get3A_93 = vector.load %arg5[%get3A_91, %get3A_92] : memref<1x128xf32, #tpu.memory_space<vmem>>, vector<1x128xf32>
    %add3A_94 = vector.broadcast %get3A_93 : vector<1x128xf32> to vector<1024x128xf32>
    %add3A_95 = arith.addf %dot_general3A_90, %add3A_94 : vector<1024x128xf32>
    %swap3A = arith.constant 0 : index
    %swap3A_96 = arith.constant 0 : index
    %swap3A_97 = vector.load %arg6[%swap3A, %swap3A_96] : memref<1024x128xf32, #tpu.memory_space<vmem>>, vector<1024x128xf32>
    tpu.vector_store %arg6[%swap3A, %swap3A_96], %add3A_95 {strides = array<i32>} : memref<1024x128xf32, #tpu.memory_space<vmem>>, vector<1024x128xf32>,
    return
  }
  func.func @transform_0(%arg0: i32) -> (i32, i32, i32) {
    %c0_i32 = arith.constant 0 : i32
    %c0_i32_0 = arith.constant 0 : i32
    %c0_i32_1 = arith.constant 0 : i32
    return %c0_i32, %arg0, %c0_i32_0 : i32, i32, i32
  }
  func.func @transform_1(%arg0: i32) -> (i32, i32) {
    %c0_i32 = arith.constant 0 : i32
    %c0_i32_0 = arith.constant 0 : i32
    return %arg0, %c0_i32 : i32, i32
  }
  func.func @transform_2(%arg0: i32) -> (i32, i32, i32) {
    %c0_i32 = arith.constant 0 : i32
    %c0_i32_0 = arith.constant 0 : i32
    %c0_i32_1 = arith.constant 0 : i32
    return %c0_i32, %arg0, %c0_i32_0 : i32, i32, i32
  }
  func.func @transform_3(%arg0: i32) -> (i32, i32) {
    %c0_i32 = arith.constant 0 : i32
    %c0_i32_0 = arith.constant 0 : i32
    %c0_i32_1 = arith.constant 0 : i32
    return %c0_i32, %c0_i32_0 : i32, i32
  }
  func.func @transform_4(%arg0: i32) -> (i32, i32) {
    %c0_i32 = arith.constant 0 : i32
    %c0_i32_0 = arith.constant 0 : i32
    %c0_i32_1 = arith.constant 0 : i32
    return %c0_i32, %c0_i32_0 : i32, i32
  }
  func.func @transform_5(%arg0: i32) -> (i32, i32) {
    %c0_i32 = arith.constant 0 : i32
    %c0_i32_0 = arith.constant 0 : i32
    return %arg0, %c0_i32 : i32, i32
  }
}

</mosaic_0001>

<sc_bundles>
// kernel: kernel.11.cloned.1.call-start
scs
__scs_entry_jumppad:
0x0: {  	(pc) =	sbr.rel $0x88, $3  }
0x1: {  	(tag) =	ssettag $0x0;
	lr =	simm.s32 $0x1  }
0x2: {  	[smem:$0x3F99] =	sst lr;
	_ =	strace $0xD0000000  }
0x3: {  	_ = 	snop  }
0x4: {  	_ = 	snop  }
0x5: {  	_ = 	snop  }
0x6: {  	_ = 	snop  }
0x7: {  	_ = 	snop  }
__scs_overlays_trampoline_lowered:
0x8: {  	[smem:$0x3FA8] =	sst s0  }
0x9: {  	[smem:$0x3FA9] =	sst s1  }
0xa: {  	[smem:$0x3FAA] =	sst s2  }
0xb: {  	[smem:$0x3FAB] =	sst s3  }
0xc: {  	[smem:$0x3FAC] =	sst s4  }
0xd: {  	[smem:$0x3FAD] =	sst s5  }
0xe: {  	[smem:$0x3FAE] =	sst s6  }
0xf: {  	[smem:$0x3FAF] =	sst s7  }
0x10: {  	[smem:$0x3FB0] =	sst s8  }
0x11: {  	[smem:$0x3FB1] =	sst s9;
	s0 =	simm.s32 @!p0 $0x0  }
0x12: {  	s1 =	sld [smem:$0x3F97];
	s0 =	simm.s32 @p0 $0x1  }
0x13: {  	[smem:$0x3FB2] =	sst s0;
	s0 =	simm.s32 @!p1 $0x0  }
0x14: {  	s2 =	sld [smem:$0x3F96];
	s0 =	simm.s32 @p1 $0x1  }
0x15: {  	[smem:$0x3FB3] =	sst s0;
	s0 =	simm.s32 @!p2 $0x0  }
0x16: {  	s3 =	sld [smem:$0x3FDB];
	s0 =	simm.s32 @p2 $0x1  }
0x17: {  	s4 =	simm.s32 $0x1BF5;
	[smem:$0x3FB5] =	sst s0  }
0x18: {  	s0 =	sld [smem:$0x3F98];
	_ =	swait.ge [sflag:s4], $0x0  }
0x19: {  	s7 =	sld [smem:$0x3F99]  }
0x1a: {  	s8 =	sadd.s32 $0xFFFFE003, lr  }
0x1b: {  	s9 =	sadd.s32 $0xFFFFFEF7, lr;
	s5 =	simm.s32 $0xFFFFFFFF;
	p2 =	slt.u32 s8, $0xFFFFF086  }
0x1c: {  	p1 =	slt.u32 s9, $0xF7A;
	s5 =	simm.s32 @!p2 $0x0  }
0x1d: {  	s5 =	simm.s32 @p1 $0x1;
	p0 =	seq.s32 s7, s2  }
0x1e: {  	s7 =	smul.u32 @!p0 $0xF7A, s2;
	p2 =	seq.s32 @!p0 s5, $0x0  }
0x1f: {  	s9 =	smul.u32 $0xF7A, s1;
	s8 =	simm.s32 @!p0 $0x1BF5;
	p2 =	por !p2, p0  }
0x20: {  	[sflag:s8] =	ssyncset.s32 @!p0 $0xFFFFF086;
	s6 =	sadd.s32 @!p0 s3, s7;
	s7 =	simm.s32 @!p0 $0x108  }
0x21: {  	s3 =	sadd.s32 s3, s9;
	s6 =	sadd.s32 @!p0 $0x88, s6;
	s7 =	simm.s32 @p2 $0x1082  }
0x22: {  	[simem:s7], [sflag:s8] =	dma.local @!p0 [hbm:s6], $0xF7A  }
0x23: {  	s9 =	sor.u32 $0xD0000000, s2;
	s6 =	simm.s32 $0x108;
	_ =	swait.ge @!p0 [sflag:s8], $0x0  }
0x24: {  	s3 =	sadd.s32 $0x88, s3;
	s6 =	simm.s32 @!p1 $0x1082;
	[sflag:s4] =	ssyncset.s32 $0xFFFFF086  }
0x25: {  	[simem:s6], [sflag:s4] =	dma.local [hbm:s3], $0xF7A  }
0x26: {  	[smem:$0x3F99] =	sst s1;
	(tag) =	ssettag s2;
	_ =	strace s9  }
0x27: {  	s1 =	sld [smem:$0x3FA9]  }
0x28: {  	s2 =	sld [smem:$0x3FAA]  }
0x29: {  	s4 =	sld [smem:$0x3FAC]  }
0x2a: {  	p0 =	seq.s32 s5, $0x0;
	s5 =	sld [smem:$0x3FAD]  }
0x2b: {  	s6 =	sld [smem:$0x3FAE]  }
0x2c: {  	s7 =	sld [smem:$0x3FAF]  }
0x2d: {  	s3 =	simm.s32 $0x108;
	s8 =	sld [smem:$0x3FB0]  }
0x2e: {  	s3 =	simm.s32 @!p0 $0x1082;
	s9 =	sld [smem:$0x3FB1]  }
0x2f: {  	lr =	sadd.s32 s0, s3;
	s0 =	sld [smem:$0x3FA8]  }
0x30: {  	s3 =	sld [smem:$0x3FAB]  }
0x31: {  	[smem:$0x3FB4] =	sst s10  }
0x32: {  	s10 =	sld [smem:$0x3FB2];
	_ =	sdelay $0x3  }
0x33: {  	p0 =	seq.s32 s10, $0x1;
	s10 =	sld [smem:$0x3FB4];
	_ =	sdelay $0x3  }
0x34: {  	[smem:$0x3FB4] =	sst s10  }
0x35: {  	s10 =	sld [smem:$0x3FB3];
	_ =	sdelay $0x3  }
0x36: {  	p1 =	seq.s32 s10, $0x1;
	s10 =	sld [smem:$0x3FB4];
	_ =	sdelay $0x3  }
0x37: {  	[smem:$0x3FB4] =	sst s10  }
0x38: {  	s10 =	sld [smem:$0x3FB5]  }
0x39: {  	_ = 	snop;
	(pc) =	sbr.ind lr, $3  }
0x3a: {  	_ = 	snop  }
0x3b: {  	_ = 	snop  }
0x3c: {  	p2 =	seq.s32 s10, $0x1;
	s10 =	sld [smem:$0x3FB4]  }
0x3d: {  	_ =	shalt  }
0x3e: {  	_ =	shalt  }
0x3f: {  	_ =	shalt  }
0x40: {  	_ =	shalt  }
0x41: {  	_ =	shalt  }
0x42: {  	_ =	shalt  }
0x43: {  	_ =	shalt  }
0x44: {  	_ =	shalt  }
0x45: {  	_ =	shalt  }
0x46: {  	_ =	shalt  }
0x47: {  	_ =	shalt  }
0x48: {  	_ =	shalt  }
0x49: {  	_ =	shalt  }
0x4a: {  	_ =	shalt  }
0x4b: {  	_ =	shalt  }
0x4c: {  	_ =	shalt  }
0x4d: {  	_ =	shalt  }
0x4e: {  	_ =	shalt  }
0x4f: {  	_ =	shalt  }
0x50: {  	_ =	shalt  }
0x51: {  	_ =	shalt  }
0x52: {  	_ =	shalt  }
0x53: {  	_ =	shalt  }
0x54: {  	_ =	shalt  }
0x55: {  	_ =	shalt  }
0x56: {  	_ =	shalt  }
0x57: {  	_ =	shalt  }
0x58: {  	_ =	shalt  }
0x59: {  	_ =	shalt  }
0x5a: {  	_ =	shalt  }
0x5b: {  	_ =	shalt  }
0x5c: {  	_ =	shalt  }
0x5d: {  	_ =	shalt  }
0x5e: {  	_ =	shalt  }
0x5f: {  	_ =	shalt  }
0x60: {  	_ =	shalt  }
0x61: {  	_ =	shalt  }
0x62: {  	_ =	shalt  }
0x63: {  	_ =	shalt  }
0x64: {  	_ =	shalt  }
0x65: {  	_ =	shalt  }
0x66: {  	_ =	shalt  }
0x67: {  	_ =	shalt  }
0x68: {  	_ =	shalt  }
0x69: {  	_ =	shalt  }
0x6a: {  	_ =	shalt  }
0x6b: {  	_ =	shalt  }
0x6c: {  	_ =	shalt  }
0x6d: {  	_ =	shalt  }
0x6e: {  	_ =	shalt  }
0x6f: {  	_ =	shalt  }
0x70: {  	_ =	shalt  }
0x71: {  	_ =	shalt  }
0x72: {  	_ =	shalt  }
0x73: {  	_ =	shalt  }
0x74: {  	_ =	shalt  }
0x75: {  	_ =	shalt  }
0x76: {  	_ =	shalt  }
0x77: {  	_ =	shalt  }
0x78: {  	_ =	shalt  }
0x79: {  	_ =	shalt  }
0x7a: {  	_ =	shalt  }
0x7b: {  	_ =	shalt  }
0x7c: {  	_ =	shalt  }
0x7d: {  	_ =	shalt  }
0x7e: {  	_ =	shalt  }
0x7f: {  	_ =	shalt  }
0x80: {  	_ =	shalt  }
0x81: {  	_ =	shalt  }
0x82: {  	_ =	shalt  }
0x83: {  	_ =	shalt  }
0x84: {  	_ =	shalt  }
0x85: {  	_ =	shalt  }
0x86: {  	_ =	shalt  }
0x87: {  	_ =	shalt  }
.Lfunc_end0:
.L_simem_size_0:
called_computation.1_lowered:
.L_overlay_start_0:
0x88: {  	s2 =	sld [smem:$0x3FD9]  }
0x89: {  	s3 =	sld [smem:$0x3FFE];
	_ =	sdelay $0x1  }
0x8a: {  	s1 =	srdreg.scid  }
0x8b: {  	s0 =	sand.u32 $0x1, s1  }
0x8c: {  	s14 =	sshll.u32 s0, $0xA;
	s2 =	sadd.s32 s3, s2  }
0x8d: {  	s2 =	sadd.s32 s2, s14  }
0x8e: {  	[smem:$0x3FC0] =	sst s2  }
0x8f: {  	_ = 	snop  }
0x90: {  	s2 =	sld [smem:$0x3FD0];
	_ =	sdelay $0x2  }
0x91: {  	s15 =	simm.s32 $0xA;
	s4 =	simm.s32 $0x10  }
0x92: {  	[smem:s4], [sflag:s15] =	dma.local [hbm:s2], $0x1  }
0x93: {  	_ =	swait.eq [sflag:s15], $0x1  }
0x94: {  	[sflag:s15] =	ssyncset.done $0x0  }
0x95: {  	s16 =	sld [smem:$0x10];
	[sflag:s15] =	ssyncadd.s32 $0xFFFFFFFF  }
0x96: {  	s17 =	sld [smem:$0x11];
	(tm) =	ssettm $0x1  }
0x97: {  	s18 =	sld [smem:$0x3FFB];
	_ =	sdelay $0x3  }
0x98: {  	_ =	strace s18  }
0x99: {  	s4 =	sld [smem:$0x3FFC];
	_ =	sdelay $0x3  }
0x9a: {  	_ =	strace s4  }
0x9b: {  	s4 =	sld [smem:$0x3FFD];
	_ =	sdelay $0x3  }
0x9c: {  	_ =	strace s4  }
0x9d: {  	_ =	strace $0x8FFFFFFF  }
0x9e: {  	s19 =	sld [smem:$0x3FDB];
	_ =	sdelay $0x1  }
0x9f: {  	s5 =	simm.s32 $_scs_section_size  }
0xa0: {  	s6 =	simm.s32 $_size__tile_overlayer_lowered;
	s7 =	simm.s32 $_tile_overlayer_lowered  }
0xa1: {  	s22 =	simm.s32 $0x1BFF;
	s21 =	sshll.u32 s7, $0x1;
	s4 =	sadd.s32 s5, s19  }
0xa2: {  	s8 =	simm.s32 $0x0;
	s20 =	sshll.u32 s6, $0x1;
	s6 =	sadd.s32 s21, s4  }
0xa3: {  	[timem:s8], [sflag:s22] =	dma.local [hbm:s6], s20  }
0xa4: {  	_ =	swait.ge [sflag:s22], s20  }
0xa5: {  	s5 =	ssub.s32 $0x0, s20;
	[sflag:s22] =	ssyncset.done $0x0  }
0xa6: {  	[sflag:s22] =	ssyncadd.s32 s5;
	_ =	sdelay $0x1  }
0xa7: {  	s23 =	simm.s32 $0x1B8B  }
0xa8: {  	_ =	swait.ge [sflag:s23], $0x1  }
0xa9: {  	[sflag:s23] =	ssyncset.done $0x0  }
0xaa: {  	s25 =	simm.s32 $0x1B8E;
	s24 =	sld [smem:$0x3FFE];
	[sflag:s23] =	ssyncadd.s32 $0xFFFFFFFF  }
0xab: {  	s26 =	simm.s32 $execute0_lowered;
	[smem:$0x3FD2] =	sst s25  }
0xac: {  	s6 =	sshll.u32 s26, $0x1;
	_ =	strace $0x80000049;
	[dreg:$0x1] =	wrdreg $0xFFFFFFFF  }
0xad: {  	s28 =	simm.s32 $_size_execute0_lowered;
	s4 =	sadd.s32 s4, s6;
	[dreg:$0x0] =	wrdreg $0x0  }
0xae: {  	s6 =	sshll.u32 s28, $0x1;
	[dreg:$0x2] =	wrdreg s4  }
0xaf: {  	[dreg:$0x3] =	wrdreg s6  }
0xb0: {  	[dreg:$0x4] =	wrdreg $0xC0  }
0xb1: {  	_ =	task [dreg:s8], $0x5FFFF  }
0xb2: {  	[dreg:$0x1] =	wrdreg $0xFFFFFFFF  }
0xb3: {  	[dreg:$0x0] =	wrdreg $0x60  }
0xb4: {  	[dreg:$0x2] =	wrdreg s24  }
0xb5: {  	[dreg:$0x3] =	wrdreg s16  }
0xb6: {  	[dreg:$0x4] =	wrdreg s17  }
0xb7: {  	[dreg:$0x5] =	wrdreg $0xA8000  }
0xb8: {  	[dreg:$0x6] =	wrdreg $0x9  }
0xb9: {  	_ =	task.clear_ibuf [dreg:s8], $0x7FFFF;
	_ =	strace $0x90000049  }
0xba: {  	s29 =	simm.s32 $0x9;
	_ =	strace $0x8000004B  }
0xbb: {  	_ =	swait.ge [sflag:s29], $0x1  }
0xbc: {  	[sflag:s29] =	ssyncadd.s32 $0xFFFFFFFF  }
0xbd: {  	_ =	strace $0x9000004B  }
0xbe: {  	_ =	sfence  }
0xbf: {  	s30 =	sld [smem:$0x0];
	_ =	sdelay $0x2  }
0xc0: {  	s31 =	sshll.u32 s1, $0xD;
	s1 =	sshrl.u32 s1, $0x2  }
0xc1: {  	s3 =	sand.u32 $0x4000, s31;
	s1 =	sadd.s32 s1, s30  }
0xc2: {  	s0 =	sor.u32 s3, s0;
	s1 =	sshll.u32 s1, $0x11  }
0xc3: {  	s0 =	sor.u32 s1, s0  }
0xc4: {  	s0 =	sadd.s32 $0x8F2B, s0  }
0xc5: {  	[sflag:s0] =	ssyncadd.remote.s32 $0x1  }
0xc6: {  	_ =	sfence.sel $0xFFFF  }
0xc7: {  	[dreg:$0x0] =	wrdreg $0xFFFFFFFF;
	(pc) =	sbr.abs _section_cstart, $3  }
0xc8: {  	[dreg:$0x1] =	wrdreg $0xFFFFFFFF  }
0xc9: {  	_ =	task.clear_ibuf [dreg:s8], $0x2FFFF;
	_ =	strace $0x9FFFFFFF  }
0xca: {  	(tm) =	ssettm $0x7FFFFFFF  }
0xcb: {  	_ =	shalt  }
tec
execute0_lowered:
.L_overlay_start_1:
0x0: {  	(tag) =	ssettag $0x1  }
0x1: {  	s6 =	rddreg [dreg:$0x0]  }
0x2: {  	s9 =	rddreg [dreg:$0x1]  }
0x3: {  	s10 =	rddreg [dreg:$0x2]  }
0x4: {  	s1 =	rddreg [dreg:$0x3]  }
0x5: {  	s2 =	srdreg.scid;
	s0 =	rddreg [dreg:$0x4];
	s3 =	simm.s32 $0x0  }
0x6: {  	s15 =	simm.s32 $0x1400;
	s16 =	simm.s32 $0x80;
	s17 =	simm.s32 $0x2800  }
0x7: {  	s18 =	simm.s32 $0x6800;
	s19 =	simm.s32 $0x1;
	s20 =	simm.s32 $0x2  }
0x8: {  	s21 =	simm.s32 $0x0;
	s5 =	sand.u32 $0x1, s2;
	s2 =	stileid.u32  }
0x9: {  	[smem:$0x7FF] =	sst s3;
	s4 =	sadd.s32 $0x2E00, s6;
	s7 =	smul.u32 $0x140000, s5  }
0xa: {  	s8 =	smul.u32 $0x14000, s2;
	_ =	strace $0x8000004A;
	s23 =	sshll.u32 s5, $0x4  }
0xb: {  	s11 =	ssub.s32 $0x2, s5;
	s25 =	smul.u32 $0x50000, s2;
	s5 =	sadd.s32 $0x2AE00, s6  }
0xc: {  	s28 =	sshll.u32 s2, $0x6;
	s24 =	sor.u32 s2, s23;
	s12 =	sshrl.u32 s11, $0x1  }
0xd: {  	s7 =	sadd.s32 s8, s7;
	s13 =	smul.u32 $0x2800, s24;
	s26 =	sshrl.u32 s25, $0x2  }
0xe: {  	s12 =	ssub.s32 s11, s12;
	s7 =	sshrl.u32 s7, $0x3;
	s30 =	sadd.s32 s26, s1  }
0xf: {  	s12 =	smax.u32 s12, $0x1;
	s14 =	sadd.s32 s7, s6;
	s29 =	sshrl.u32 s13, $0x3  }
0x10: {  	s6 =	sor.u32 $0x1C03, s28;
	s13 =	sshrl.u32 s30, $0x3;
	s31 =	sadd.s32 $0x280, s29  }
0x11: {  	s7 =	sadd.s32 s9, s29;
	s8 =	sadd.s32 s10, s29;
	s11 =	sadd.s32 $0x2D600, s14  }
0x12: {  	s14 =	simm.s32 $0x3;
	s9 =	sadd.s32 s9, s31;
	s10 =	sadd.s32 s10, s31  }
.LBB2_1:
0x13: {  	[spmem:s13], [sflag:s6] =	dma.local [hbm:s5], $0x2800  }
0x14: {  	_ =	swait.ge [sflag:s14], $0x2800  }
0x15: {  	[sflag:s14] =	ssyncset.done $0x0  }
0x16: {  	[sflag:s14] =	ssyncadd.s32 $0xFFFFD800  }
0x17: {  	[tilespmem:s3], [sflag:$0x3] =	stream.linear.gather [hbm4b:s7+s3], $0x1400, $0x38;
	[tilespmem:$0x1E800] =	vst v63  }
0x18: {  	_ =	swait.ge [sflag:s14], $0x1400  }
0x19: {  	[sflag:s14] =	ssyncset.done $0x0  }
0x1a: {  	[sflag:s14] =	ssyncadd.s32 $0xFFFFEC00  }
0x1b: {  	[tilespmem:s15], [sflag:$0x3] =	stream.linear.gather [hbm4b:s8+s3], $0x1400, $0x38;
	[tilespmem:$0x1E800] =	vst v63  }
0x1c: {  	_ =	swait.ge [sflag:s14], $0x1400  }
0x1d: {  	[sflag:s14] =	ssyncset.done $0x0  }
0x1e: {  	[sflag:s14] =	ssyncadd.s32 $0xFFFFEC00  }
0x1f: {  	s22 =	simm.s32 $0x0;
	[bflag:$0x0] =	sbarrier.arrive $0xFFFF  }
0x20: {  	[tilespmem:s17], [sflag:$0x1] =	stream.indirect.gather [hbm4b:s4+s16], $0x80, s22, s16, $0xb8;
	[tilespmem:$0x1E800] =	vst v63  }
0x21: {  	s29 =	simm.s32 $0x80  }
0x22: {  	[tilespmem:s18], [sflag:$0x1] =	stream.indirect.gather [hbm4b:s4+s16], $0x80, s29, s16, $0xb8;
	[tilespmem:$0x1E800] =	vst v63  }
0x23: {  	_ =	swait.ge [sflag:s19], $0x4000  }
0x24: {  	[sflag:s19] =	ssyncset.done $0x0  }
0x25: {  	s30 =	simm.s32 $0x1400;
	[sflag:s19] =	ssyncadd.s32 $0xFFFFC000  }
0x26: {  	[spmem:s1] =	stream.indirect.scatter.add.f32 [tilespmem:s17], [sflag:$0x2], $0x80, s30, s16, $0xb8;
	[tilespmem:$0x1E800] =	vst v63  }
0x27: {  	_ =	swait.ge [sflag:s19], $0x4000  }
0x28: {  	[sflag:s19] =	ssyncset.done $0x0  }
0x29: {  	s31 =	simm.s32 $0x1480;
	[sflag:s19] =	ssyncadd.s32 $0xFFFFC000  }
0x2a: {  	[spmem:s1] =	stream.indirect.scatter.add.f32 [tilespmem:s18], [sflag:$0x2], $0x80, s31, s16, $0xb8;
	[tilespmem:$0x1E800] =	vst v63  }
0x2b: {  	_ =	swait.ge [sflag:s20], $0x4000  }
0x2c: {  	[sflag:s20] =	ssyncset.done $0x0  }
0x2d: {  	[sflag:s20] =	ssyncadd.s32 $0xFFFFC000  }
0x2e: {  	_ =	swait.ge [sflag:s20], $0x4000  }
0x2f: {  	s23 =	simm.s32 $0x800;
	s22 =	simm.s32 $0x400;
	[sflag:s20] =	ssyncset.done $0x0  }
.LBB2_2:
0x30: {  	s24 =	sshra.s32 s22, $0x2  }
0x31: {  	[sflag:s20] =	ssyncadd.s32 $0xFFFFC000;
	s22 =	smov.u32 s23;
	s25 =	sadd.s32 $0x400, s23  }
0x32: {  	[tilespmem:s17], [sflag:$0x1] =	stream.indirect.gather [hbm4b:s4+s16], $0x80, s24, s16, $0xb8;
	[tilespmem:$0x1E800] =	vst v63  }
0x33: {  	p0 =	sne.s32 s23, $0x4C00;
	s23 =	sadd.s32 $0x80, s24  }
0x34: {  	[tilespmem:s18], [sflag:$0x1] =	stream.indirect.gather [hbm4b:s4+s16], $0x80, s23, s16, $0xb8;
	[tilespmem:$0x1E800] =	vst v63  }
0x35: {  	_ =	swait.ge [sflag:s19], $0x4000  }
0x36: {  	[sflag:s19] =	ssyncset.done $0x0  }
0x37: {  	s23 =	sadd.s32 $0x1400, s24;
	[sflag:s19] =	ssyncadd.s32 $0xFFFFC000  }
0x38: {  	[spmem:s1] =	stream.indirect.scatter.add.f32 [tilespmem:s17], [sflag:$0x2], $0x80, s23, s16, $0xb8;
	[tilespmem:$0x1E800] =	vst v63  }
0x39: {  	_ =	swait.ge [sflag:s19], $0x4000  }
0x3a: {  	[sflag:s19] =	ssyncset.done $0x0  }
0x3b: {  	s23 =	sadd.s32 $0x1480, s24;
	[sflag:s19] =	ssyncadd.s32 $0xFFFFC000  }
0x3c: {  	[spmem:s1] =	stream.indirect.scatter.add.f32 [tilespmem:s18], [sflag:$0x2], $0x80, s23, s16, $0xb8;
	[tilespmem:$0x1E800] =	vst v63  }
.Ltmp0:
0x3d: {  	_ =	swait.ge [sflag:s20], $0x4000;
	(pc) =	sbr.rel @p0 .LBB2_2-.Ltmp0, $4  }
0x3e: {  	[sflag:s20] =	ssyncset.done $0x0  }
0x3f: {  	[sflag:s20] =	ssyncadd.s32 $0xFFFFC000  }
0x40: {  	_ =	swait.ge [sflag:s20], $0x4000  }
0x41: {  	s23 =	smov.u32 s25;
	[sflag:s20] =	ssyncset.done $0x0  }
0x42: {  	s22 =	sshra.s32 s22, $0x2;
	[sflag:s20] =	ssyncadd.s32 $0xFFFFC000  }
0x43: {  	[tilespmem:s17], [sflag:$0x1] =	stream.indirect.gather [hbm4b:s4+s16], $0x80, s22, s16, $0xb8;
	[tilespmem:$0x1E800] =	vst v63  }
0x44: {  	s23 =	sadd.s32 $0x80, s22  }
0x45: {  	[tilespmem:s18], [sflag:$0x1] =	stream.indirect.gather [hbm4b:s4+s16], $0x80, s23, s16, $0xb8;
	[tilespmem:$0x1E800] =	vst v63  }
0x46: {  	_ =	swait.ge [sflag:s19], $0x4000  }
0x47: {  	[sflag:s19] =	ssyncset.done $0x0  }
0x48: {  	s25 =	sadd.s32 $0x1400, s22;
	[sflag:s19] =	ssyncadd.s32 $0xFFFFC000  }
0x49: {  	[spmem:s1] =	stream.indirect.scatter.add.f32 [tilespmem:s17], [sflag:$0x2], $0x80, s25, s16, $0xb8;
	[tilespmem:$0x1E800] =	vst v63  }
0x4a: {  	_ =	swait.ge [sflag:s19], $0x4000  }
0x4b: {  	[sflag:s19] =	ssyncset.done $0x0  }
0x4c: {  	s22 =	sadd.s32 $0x1480, s22;
	[sflag:s19] =	ssyncadd.s32 $0xFFFFC000  }
0x4d: {  	[spmem:s1] =	stream.indirect.scatter.add.f32 [tilespmem:s18], [sflag:$0x2], $0x80, s22, s16, $0xb8;
	[tilespmem:$0x1E800] =	vst v63  }
0x4e: {  	_ =	swait.ge [sflag:s20], $0x4000  }
0x4f: {  	[sflag:s20] =	ssyncset.done $0x0  }
0x50: {  	[sflag:s20] =	ssyncadd.s32 $0xFFFFC000  }
0x51: {  	_ =	swait.ge [sflag:s20], $0x4000  }
0x52: {  	[sflag:s20] =	ssyncset.done $0x0  }
0x53: {  	s26 =	simm.s32 $0x0;
	[sflag:s20] =	ssyncadd.s32 $0xFFFFC000  }
0x54: {  	[tilespmem:s26], [sflag:$0x3] =	stream.linear.gather [hbm4b:s9+s26], $0x1400, $0x38;
	[tilespmem:$0x1E800] =	vst v63  }
0x55: {  	_ =	swait.ge [sflag:s14], $0x1400  }
0x56: {  	[sflag:s14] =	ssyncset.done $0x0  }
0x57: {  	[sflag:s14] =	ssyncadd.s32 $0xFFFFEC00  }
0x58: {  	[tilespmem:s15], [sflag:$0x3] =	stream.linear.gather [hbm4b:s10+s26], $0x1400, $0x38;
	[tilespmem:$0x1E800] =	vst v63  }
0x59: {  	_ =	swait.ge [sflag:s14], $0x1400  }
0x5a: {  	[sflag:s14] =	ssyncset.done $0x0  }
0x5b: {  	s28 =	simm.s32 $0x0;
	[sflag:s14] =	ssyncadd.s32 $0xFFFFEC00  }
0x5c: {  	[tilespmem:s17], [sflag:$0x1] =	stream.indirect.gather [hbm4b:s4+s16], $0x80, s28, s16, $0xb8;
	[tilespmem:$0x1E800] =	vst v63  }
0x5d: {  	s29 =	simm.s32 $0x80  }
0x5e: {  	[tilespmem:s18], [sflag:$0x1] =	stream.indirect.gather [hbm4b:s4+s16], $0x80, s29, s16, $0xb8;
	[tilespmem:$0x1E800] =	vst v63  }
0x5f: {  	_ =	swait.ge [sflag:s19], $0x4000  }
0x60: {  	[sflag:s19] =	ssyncset.done $0x0  }
0x61: {  	s30 =	simm.s32 $0x1400;
	[sflag:s19] =	ssyncadd.s32 $0xFFFFC000  }
0x62: {  	[spmem:s1] =	stream.indirect.scatter.add.f32 [tilespmem:s17], [sflag:$0x2], $0x80, s30, s16, $0xb8;
	[tilespmem:$0x1E800] =	vst v63  }
0x63: {  	_ =	swait.ge [sflag:s19], $0x4000  }
0x64: {  	[sflag:s19] =	ssyncset.done $0x0  }
0x65: {  	s31 =	simm.s32 $0x1480;
	[sflag:s19] =	ssyncadd.s32 $0xFFFFC000  }
0x66: {  	[spmem:s1] =	stream.indirect.scatter.add.f32 [tilespmem:s18], [sflag:$0x2], $0x80, s31, s16, $0xb8;
	[tilespmem:$0x1E800] =	vst v63  }
0x67: {  	_ =	swait.ge [sflag:s20], $0x4000  }
0x68: {  	[sflag:s20] =	ssyncset.done $0x0  }
0x69: {  	[sflag:s20] =	ssyncadd.s32 $0xFFFFC000  }
0x6a: {  	_ =	swait.ge [sflag:s20], $0x4000  }
0x6b: {  	s23 =	simm.s32 $0x800;
	s22 =	simm.s32 $0x400;
	[sflag:s20] =	ssyncset.done $0x0  }
.LBB2_4:
0x6c: {  	s24 =	sshra.s32 s22, $0x2  }
0x6d: {  	[sflag:s20] =	ssyncadd.s32 $0xFFFFC000;
	s22 =	smov.u32 s23;
	s25 =	sadd.s32 $0x400, s23  }
0x6e: {  	[tilespmem:s17], [sflag:$0x1] =	stream.indirect.gather [hbm4b:s4+s16], $0x80, s24, s16, $0xb8;
	[tilespmem:$0x1E800] =	vst v63  }
0x6f: {  	p0 =	sne.s32 s23, $0x4C00;
	s23 =	sadd.s32 $0x80, s24  }
0x70: {  	[tilespmem:s18], [sflag:$0x1] =	stream.indirect.gather [hbm4b:s4+s16], $0x80, s23, s16, $0xb8;
	[tilespmem:$0x1E800] =	vst v63  }
0x71: {  	_ =	swait.ge [sflag:s19], $0x4000  }
0x72: {  	[sflag:s19] =	ssyncset.done $0x0  }
0x73: {  	s23 =	sadd.s32 $0x1400, s24;
	[sflag:s19] =	ssyncadd.s32 $0xFFFFC000  }
0x74: {  	[spmem:s1] =	stream.indirect.scatter.add.f32 [tilespmem:s17], [sflag:$0x2], $0x80, s23, s16, $0xb8;
	[tilespmem:$0x1E800] =	vst v63  }
0x75: {  	_ =	swait.ge [sflag:s19], $0x4000  }
0x76: {  	[sflag:s19] =	ssyncset.done $0x0  }
0x77: {  	s23 =	sadd.s32 $0x1480, s24;
	[sflag:s19] =	ssyncadd.s32 $0xFFFFC000  }
0x78: {  	[spmem:s1] =	stream.indirect.scatter.add.f32 [tilespmem:s18], [sflag:$0x2], $0x80, s23, s16, $0xb8;
	[tilespmem:$0x1E800] =	vst v63  }
.Ltmp1:
0x79: {  	_ =	swait.ge [sflag:s20], $0x4000;
	(pc) =	sbr.rel @p0 .LBB2_4-.Ltmp1, $4  }
0x7a: {  	[sflag:s20] =	ssyncset.done $0x0  }
0x7b: {  	[sflag:s20] =	ssyncadd.s32 $0xFFFFC000  }
0x7c: {  	_ =	swait.ge [sflag:s20], $0x4000  }
0x7d: {  	s23 =	smov.u32 s25;
	[sflag:s20] =	ssyncset.done $0x0  }
0x7e: {  	s22 =	sshra.s32 s22, $0x2;
	[sflag:s20] =	ssyncadd.s32 $0xFFFFC000  }
0x7f: {  	[tilespmem:s17], [sflag:$0x1] =	stream.indirect.gather [hbm4b:s4+s16], $0x80, s22, s16, $0xb8;
	[tilespmem:$0x1E800] =	vst v63  }
0x80: {  	s23 =	sadd.s32 $0x80, s22  }
0x81: {  	[tilespmem:s18], [sflag:$0x1] =	stream.indirect.gather [hbm4b:s4+s16], $0x80, s23, s16, $0xb8;
	[tilespmem:$0x1E800] =	vst v63  }
0x82: {  	_ =	swait.ge [sflag:s19], $0x4000  }
0x83: {  	[sflag:s19] =	ssyncset.done $0x0  }
0x84: {  	s31 =	sadd.s32 $0x1400, s22;
	[sflag:s19] =	ssyncadd.s32 $0xFFFFC000  }
0x85: {  	[spmem:s1] =	stream.indirect.scatter.add.f32 [tilespmem:s17], [sflag:$0x2], $0x80, s31, s16, $0xb8;
	[tilespmem:$0x1E800] =	vst v63  }
0x86: {  	_ =	swait.ge [sflag:s19], $0x4000  }
0x87: {  	[sflag:s19] =	ssyncset.done $0x0  }
0x88: {  	s22 =	sadd.s32 $0x1480, s22;
	[sflag:s19] =	ssyncadd.s32 $0xFFFFC000  }
0x89: {  	[spmem:s1] =	stream.indirect.scatter.add.f32 [tilespmem:s18], [sflag:$0x2], $0x80, s22, s16, $0xb8;
	[tilespmem:$0x1E800] =	vst v63  }
0x8a: {  	_ =	swait.ge [sflag:s20], $0x4000  }
0x8b: {  	[sflag:s20] =	ssyncset.done $0x0  }
0x8c: {  	[sflag:s20] =	ssyncadd.s32 $0xFFFFC000  }
0x8d: {  	_ =	swait.ge [sflag:s20], $0x4000  }
0x8e: {  	s21 =	sadd.s32 $0x1, s21;
	[sflag:s20] =	ssyncset.done $0x0  }
0x8f: {  	p0 =	sne.s32 s21, s12;
	[sflag:s20] =	ssyncadd.s32 $0xFFFFC000  }
.Ltmp2:
0x90: {  	[bflag:$0x0] =	sbarrier.arrive $0xFFFF;
	(pc) =	sbr.rel @p0 .LBB2_1-.Ltmp2, $4  }
0x91: {  	[hbm:s11], [sflag:s6] =	dma.local [spmem:s13], $0x2800  }
0x92: {  	_ =	swait.ge [sflag:s14], $0x2800  }
0x93: {  	[sflag:s14] =	ssyncset.done $0x0  }
0x94: {  	[sflag:s14] =	ssyncadd.s32 $0xFFFFD800  }
0x95: {  	_ =	sfence.sel $0x180000  }
0x96: {  	[bflag:$0x0] =	sbarrier.arrive $0xFFFF  }
0x97: {  	p0 =	sne.s32 s2, $0x0;
	_ =	strace $0x9000004A  }
0x98: {  	s0 =	sadd.s32 @!p0 $0x100000, s0;
	[bflag:$0x2] =	sbarrier.arrive $0xFFFF  }
0x99: {  	[sflag:s0] =	ssyncadd.tile.s32 @!p0 $0x1;
	_ =	shalt  }
.Lfunc_end2:
_tile_overlayer_lowered:
.L_overlay_start_2:
0x9a: {  	(tag) =	ssettag $0x2  }
0x9b: {  	s0 =	rddreg [dreg:$0x0];
	s2 =	stileid.u32  }
0x9c: {  	s1 =	rddreg [dreg:$0x1];
	p0 =	sne.s32 s2, $0x0  }
0x9d: {  	s3 =	rddreg [dreg:$0x2];
	[bflag:$0x3] =	sbarrier.arrive $0xFFFF;
	s2 =	simm.s32 @!p0 $0x1C03  }
0x9e: {  	[timem:s3], [sflag:s2] =	dma.local @!p0 [hbm:s0], s1  }
0x9f: {  	s0 =	simm.s32 @!p0 $0x3  }
0xa0: {  	_ =	swait.ge @!p0 [sflag:s0], s1  }
0xa1: {  	s1 =	ssub.s32 @!p0 $0x0, s1;
	[sflag:s0] =	ssyncset.done @!p0 $0x0  }
0xa2: {  	[sflag:s0] =	ssyncadd.s32 @!p0 s1  }
0xa3: {  	[bflag:$0x3] =	sbarrier.arrive $0xFFFF  }
0xa4: {  	_ =	shalt  }

// kernel: kernel.14.cloned.1.call-start
scs
__scs_entry_jumppad:
0x0: {  	(pc) =	sbr.rel $0x88, $3  }
0x1: {  	(tag) =	ssettag $0x0;
	lr =	simm.s32 $0x1  }
0x2: {  	[smem:$0x3F99] =	sst lr;
	_ =	strace $0xD0000000  }
0x3: {  	_ = 	snop  }
0x4: {  	_ = 	snop  }
0x5: {  	_ = 	snop  }
0x6: {  	_ = 	snop  }
0x7: {  	_ = 	snop  }
__scs_overlays_trampoline_lowered:
0x8: {  	[smem:$0x3FA8] =	sst s0  }
0x9: {  	[smem:$0x3FA9] =	sst s1  }
0xa: {  	[smem:$0x3FAA] =	sst s2  }
0xb: {  	[smem:$0x3FAB] =	sst s3  }
0xc: {  	[smem:$0x3FAC] =	sst s4  }
0xd: {  	[smem:$0x3FAD] =	sst s5  }
0xe: {  	[smem:$0x3FAE] =	sst s6  }
0xf: {  	[smem:$0x3FAF] =	sst s7  }
0x10: {  	[smem:$0x3FB0] =	sst s8  }
0x11: {  	[smem:$0x3FB1] =	sst s9;
	s0 =	simm.s32 @!p0 $0x0  }
0x12: {  	s1 =	sld [smem:$0x3F97];
	s0 =	simm.s32 @p0 $0x1  }
0x13: {  	[smem:$0x3FB2] =	sst s0;
	s0 =	simm.s32 @!p1 $0x0  }
0x14: {  	s2 =	sld [smem:$0x3F96];
	s0 =	simm.s32 @p1 $0x1  }
0x15: {  	[smem:$0x3FB3] =	sst s0;
	s0 =	simm.s32 @!p2 $0x0  }
0x16: {  	s3 =	sld [smem:$0x3FDB];
	s0 =	simm.s32 @p2 $0x1  }
0x17: {  	s4 =	simm.s32 $0x1BF5;
	[smem:$0x3FB5] =	sst s0  }
0x18: {  	s0 =	sld [smem:$0x3F98];
	_ =	swait.ge [sflag:s4], $0x0  }
0x19: {  	s7 =	sld [smem:$0x3F99]  }
0x1a: {  	s8 =	sadd.s32 $0xFFFFE003, lr  }
0x1b: {  	s9 =	sadd.s32 $0xFFFFFEF7, lr;
	s5 =	simm.s32 $0xFFFFFFFF;
	p2 =	slt.u32 s8, $0xFFFFF086  }
0x1c: {  	p1 =	slt.u32 s9, $0xF7A;
	s5 =	simm.s32 @!p2 $0x0  }
0x1d: {  	s5 =	simm.s32 @p1 $0x1;
	p0 =	seq.s32 s7, s2  }
0x1e: {  	s7 =	smul.u32 @!p0 $0xF7A, s2;
	p2 =	seq.s32 @!p0 s5, $0x0  }
0x1f: {  	s9 =	smul.u32 $0xF7A, s1;
	s8 =	simm.s32 @!p0 $0x1BF5;
	p2 =	por !p2, p0  }
0x20: {  	[sflag:s8] =	ssyncset.s32 @!p0 $0xFFFFF086;
	s6 =	sadd.s32 @!p0 s3, s7;
	s7 =	simm.s32 @!p0 $0x108  }
0x21: {  	s3 =	sadd.s32 s3, s9;
	s6 =	sadd.s32 @!p0 $0x88, s6;
	s7 =	simm.s32 @p2 $0x1082  }
0x22: {  	[simem:s7], [sflag:s8] =	dma.local @!p0 [hbm:s6], $0xF7A  }
0x23: {  	s9 =	sor.u32 $0xD0000000, s2;
	s6 =	simm.s32 $0x108;
	_ =	swait.ge @!p0 [sflag:s8], $0x0  }
0x24: {  	s3 =	sadd.s32 $0x88, s3;
	s6 =	simm.s32 @!p1 $0x1082;
	[sflag:s4] =	ssyncset.s32 $0xFFFFF086  }
0x25: {  	[simem:s6], [sflag:s4] =	dma.local [hbm:s3], $0xF7A  }
0x26: {  	[smem:$0x3F99] =	sst s1;
	(tag) =	ssettag s2;
	_ =	strace s9  }
0x27: {  	s1 =	sld [smem:$0x3FA9]  }
0x28: {  	s2 =	sld [smem:$0x3FAA]  }
0x29: {  	s4 =	sld [smem:$0x3FAC]  }
0x2a: {  	p0 =	seq.s32 s5, $0x0;
	s5 =	sld [smem:$0x3FAD]  }
0x2b: {  	s6 =	sld [smem:$0x3FAE]  }
0x2c: {  	s7 =	sld [smem:$0x3FAF]  }
0x2d: {  	s3 =	simm.s32 $0x108;
	s8 =	sld [smem:$0x3FB0]  }
0x2e: {  	s3 =	simm.s32 @!p0 $0x1082;
	s9 =	sld [smem:$0x3FB1]  }
0x2f: {  	lr =	sadd.s32 s0, s3;
	s0 =	sld [smem:$0x3FA8]  }
0x30: {  	s3 =	sld [smem:$0x3FAB]  }
0x31: {  	[smem:$0x3FB4] =	sst s10  }
0x32: {  	s10 =	sld [smem:$0x3FB2];
	_ =	sdelay $0x3  }
0x33: {  	p0 =	seq.s32 s10, $0x1;
	s10 =	sld [smem:$0x3FB4];
	_ =	sdelay $0x3  }
0x34: {  	[smem:$0x3FB4] =	sst s10  }
0x35: {  	s10 =	sld [smem:$0x3FB3];
	_ =	sdelay $0x3  }
0x36: {  	p1 =	seq.s32 s10, $0x1;
	s10 =	sld [smem:$0x3FB4];
	_ =	sdelay $0x3  }
0x37: {  	[smem:$0x3FB4] =	sst s10  }
0x38: {  	s10 =	sld [smem:$0x3FB5]  }
0x39: {  	_ = 	snop;
	(pc) =	sbr.ind lr, $3  }
0x3a: {  	_ = 	snop  }
0x3b: {  	_ = 	snop  }
0x3c: {  	p2 =	seq.s32 s10, $0x1;
	s10 =	sld [smem:$0x3FB4]  }
0x3d: {  	_ =	shalt  }
0x3e: {  	_ =	shalt  }
0x3f: {  	_ =	shalt  }
0x40: {  	_ =	shalt  }
0x41: {  	_ =	shalt  }
0x42: {  	_ =	shalt  }
0x43: {  	_ =	shalt  }
0x44: {  	_ =	shalt  }
0x45: {  	_ =	shalt  }
0x46: {  	_ =	shalt  }
0x47: {  	_ =	shalt  }
0x48: {  	_ =	shalt  }
0x49: {  	_ =	shalt  }
0x4a: {  	_ =	shalt  }
0x4b: {  	_ =	shalt  }
0x4c: {  	_ =	shalt  }
0x4d: {  	_ =	shalt  }
0x4e: {  	_ =	shalt  }
0x4f: {  	_ =	shalt  }
0x50: {  	_ =	shalt  }
0x51: {  	_ =	shalt  }
0x52: {  	_ =	shalt  }
0x53: {  	_ =	shalt  }
0x54: {  	_ =	shalt  }
0x55: {  	_ =	shalt  }
0x56: {  	_ =	shalt  }
0x57: {  	_ =	shalt  }
0x58: {  	_ =	shalt  }
0x59: {  	_ =	shalt  }
0x5a: {  	_ =	shalt  }
0x5b: {  	_ =	shalt  }
0x5c: {  	_ =	shalt  }
0x5d: {  	_ =	shalt  }
0x5e: {  	_ =	shalt  }
0x5f: {  	_ =	shalt  }
0x60: {  	_ =	shalt  }
0x61: {  	_ =	shalt  }
0x62: {  	_ =	shalt  }
0x63: {  	_ =	shalt  }
0x64: {  	_ =	shalt  }
0x65: {  	_ =	shalt  }
0x66: {  	_ =	shalt  }
0x67: {  	_ =	shalt  }
0x68: {  	_ =	shalt  }
0x69: {  	_ =	shalt  }
0x6a: {  	_ =	shalt  }
0x6b: {  	_ =	shalt  }
0x6c: {  	_ =	shalt  }
0x6d: {  	_ =	shalt  }
0x6e: {  	_ =	shalt  }
0x6f: {  	_ =	shalt  }
0x70: {  	_ =	shalt  }
0x71: {  	_ =	shalt  }
0x72: {  	_ =	shalt  }
0x73: {  	_ =	shalt  }
0x74: {  	_ =	shalt  }
0x75: {  	_ =	shalt  }
0x76: {  	_ =	shalt  }
0x77: {  	_ =	shalt  }
0x78: {  	_ =	shalt  }
0x79: {  	_ =	shalt  }
0x7a: {  	_ =	shalt  }
0x7b: {  	_ =	shalt  }
0x7c: {  	_ =	shalt  }
0x7d: {  	_ =	shalt  }
0x7e: {  	_ =	shalt  }
0x7f: {  	_ =	shalt  }
0x80: {  	_ =	shalt  }
0x81: {  	_ =	shalt  }
0x82: {  	_ =	shalt  }
0x83: {  	_ =	shalt  }
0x84: {  	_ =	shalt  }
0x85: {  	_ =	shalt  }
0x86: {  	_ =	shalt  }
0x87: {  	_ =	shalt  }
.Lfunc_end0:
.L_simem_size_0:
called_computation.2_lowered:
.L_overlay_start_0:
0x88: {  	s2 =	sld [smem:$0x3FD9]  }
0x89: {  	s3 =	sld [smem:$0x3FFE];
	_ =	sdelay $0x1  }
0x8a: {  	s1 =	srdreg.scid  }
0x8b: {  	s0 =	sand.u32 $0x1, s1  }
0x8c: {  	s14 =	sshll.u32 s0, $0xA;
	s2 =	sadd.s32 s3, s2  }
0x8d: {  	s2 =	sadd.s32 s2, s14  }
0x8e: {  	[smem:$0x3FC0] =	sst s2  }
0x8f: {  	_ = 	snop  }
0x90: {  	s2 =	sld [smem:$0x3FD0];
	_ =	sdelay $0x2  }
0x91: {  	s15 =	simm.s32 $0xA;
	s4 =	simm.s32 $0x10  }
0x92: {  	[smem:s4], [sflag:s15] =	dma.local [hbm:s2], $0x1  }
0x93: {  	_ =	swait.eq [sflag:s15], $0x1  }
0x94: {  	[sflag:s15] =	ssyncset.done $0x0  }
0x95: {  	s16 =	sld [smem:$0x10];
	[sflag:s15] =	ssyncadd.s32 $0xFFFFFFFF  }
0x96: {  	s17 =	sld [smem:$0x11];
	(tm) =	ssettm $0x1  }
0x97: {  	s18 =	sld [smem:$0x3FFB];
	_ =	sdelay $0x3  }
0x98: {  	_ =	strace s18  }
0x99: {  	s4 =	sld [smem:$0x3FFC];
	_ =	sdelay $0x3  }
0x9a: {  	_ =	strace s4  }
0x9b: {  	s4 =	sld [smem:$0x3FFD];
	_ =	sdelay $0x3  }
0x9c: {  	_ =	strace s4  }
0x9d: {  	_ =	strace $0x8FFFFFFF  }
0x9e: {  	s19 =	sld [smem:$0x3FDB];
	_ =	sdelay $0x1  }
0x9f: {  	s5 =	simm.s32 $_scs_section_size  }
0xa0: {  	s6 =	simm.s32 $_size__tile_overlayer_lowered;
	s7 =	simm.s32 $_tile_overlayer_lowered  }
0xa1: {  	s22 =	simm.s32 $0x1BFF;
	s21 =	sshll.u32 s7, $0x1;
	s4 =	sadd.s32 s5, s19  }
0xa2: {  	s8 =	simm.s32 $0x0;
	s20 =	sshll.u32 s6, $0x1;
	s6 =	sadd.s32 s21, s4  }
0xa3: {  	[timem:s8], [sflag:s22] =	dma.local [hbm:s6], s20  }
0xa4: {  	_ =	swait.ge [sflag:s22], s20  }
0xa5: {  	s5 =	ssub.s32 $0x0, s20;
	[sflag:s22] =	ssyncset.done $0x0  }
0xa6: {  	[sflag:s22] =	ssyncadd.s32 s5;
	_ =	sdelay $0x1  }
0xa7: {  	s23 =	simm.s32 $0x1B8B  }
0xa8: {  	_ =	swait.ge [sflag:s23], $0x1  }
0xa9: {  	[sflag:s23] =	ssyncset.done $0x0  }
0xaa: {  	s25 =	simm.s32 $0x1B8E;
	s24 =	sld [smem:$0x3FFE];
	[sflag:s23] =	ssyncadd.s32 $0xFFFFFFFF  }
0xab: {  	s26 =	simm.s32 $execute0_lowered;
	[smem:$0x3FD2] =	sst s25  }
0xac: {  	s6 =	sshll.u32 s26, $0x1;
	_ =	strace $0x8000004C;
	[dreg:$0x1] =	wrdreg $0xFFFFFFFF  }
0xad: {  	s28 =	simm.s32 $_size_execute0_lowered;
	s4 =	sadd.s32 s4, s6;
	[dreg:$0x0] =	wrdreg $0x0  }
0xae: {  	s6 =	sshll.u32 s28, $0x1;
	[dreg:$0x2] =	wrdreg s4  }
0xaf: {  	[dreg:$0x3] =	wrdreg s6  }
0xb0: {  	[dreg:$0x4] =	wrdreg $0xC0  }
0xb1: {  	_ =	task [dreg:s8], $0x5FFFF  }
0xb2: {  	[dreg:$0x1] =	wrdreg $0xFFFFFFFF  }
0xb3: {  	[dreg:$0x0] =	wrdreg $0x60  }
0xb4: {  	[dreg:$0x2] =	wrdreg s24  }
0xb5: {  	[dreg:$0x3] =	wrdreg s16  }
0xb6: {  	[dreg:$0x4] =	wrdreg s17  }
0xb7: {  	[dreg:$0x5] =	wrdreg $0xA8000  }
0xb8: {  	[dreg:$0x6] =	wrdreg $0x9  }
0xb9: {  	_ =	task.clear_ibuf [dreg:s8], $0x7FFFF;
	_ =	strace $0x9000004C  }
0xba: {  	s29 =	simm.s32 $0x9;
	_ =	strace $0x8000004E  }
0xbb: {  	_ =	swait.ge [sflag:s29], $0x1  }
0xbc: {  	[sflag:s29] =	ssyncadd.s32 $0xFFFFFFFF  }
0xbd: {  	_ =	strace $0x9000004E  }
0xbe: {  	_ =	sfence  }
0xbf: {  	s30 =	sld [smem:$0x0];
	_ =	sdelay $0x2  }
0xc0: {  	s31 =	sshll.u32 s1, $0xD;
	s1 =	sshrl.u32 s1, $0x2  }
0xc1: {  	s3 =	sand.u32 $0x4000, s31;
	s1 =	sadd.s32 s1, s30  }
0xc2: {  	s0 =	sor.u32 s3, s0;
	s1 =	sshll.u32 s1, $0x11  }
0xc3: {  	s0 =	sor.u32 s1, s0  }
0xc4: {  	s0 =	sadd.s32 $0x8F2B, s0  }
0xc5: {  	[sflag:s0] =	ssyncadd.remote.s32 $0x1  }
0xc6: {  	_ =	sfence.sel $0xFFFF  }
0xc7: {  	[dreg:$0x0] =	wrdreg $0xFFFFFFFF;
	(pc) =	sbr.abs _section_cstart, $3  }
0xc8: {  	[dreg:$0x1] =	wrdreg $0xFFFFFFFF  }
0xc9: {  	_ =	task.clear_ibuf [dreg:s8], $0x2FFFF;
	_ =	strace $0x9FFFFFFF  }
0xca: {  	(tm) =	ssettm $0x7FFFFFFF  }
0xcb: {  	_ =	shalt  }
tec
execute0_lowered:
.L_overlay_start_1:
0x0: {  	(tag) =	ssettag $0x1  }
0x1: {  	s6 =	rddreg [dreg:$0x0]  }
0x2: {  	s9 =	rddreg [dreg:$0x1]  }
0x3: {  	s10 =	rddreg [dreg:$0x2]  }
0x4: {  	s1 =	rddreg [dreg:$0x3]  }
0x5: {  	s2 =	srdreg.scid;
	s0 =	rddreg [dreg:$0x4];
	s3 =	simm.s32 $0x0  }
0x6: {  	s15 =	simm.s32 $0x1400;
	s16 =	simm.s32 $0x80;
	s17 =	simm.s32 $0x2800  }
0x7: {  	s18 =	simm.s32 $0x6800;
	s19 =	simm.s32 $0x1;
	s20 =	simm.s32 $0x2  }
0x8: {  	s21 =	simm.s32 $0x0;
	s5 =	sand.u32 $0x1, s2;
	s2 =	stileid.u32  }
0x9: {  	[smem:$0x7FF] =	sst s3;
	s4 =	sadd.s32 $0x2E00, s6;
	s7 =	smul.u32 $0x140000, s5  }
0xa: {  	s8 =	smul.u32 $0x14000, s2;
	_ =	strace $0x8000004D;
	s23 =	sshll.u32 s5, $0x4  }
0xb: {  	s11 =	ssub.s32 $0x2, s5;
	s25 =	smul.u32 $0x50000, s2;
	s5 =	sadd.s32 $0x2AE00, s6  }
0xc: {  	s28 =	sshll.u32 s2, $0x6;
	s24 =	sor.u32 s2, s23;
	s12 =	sshrl.u32 s11, $0x1  }
0xd: {  	s7 =	sadd.s32 s8, s7;
	s13 =	smul.u32 $0x2800, s24;
	s26 =	sshrl.u32 s25, $0x2  }
0xe: {  	s12 =	ssub.s32 s11, s12;
	s7 =	sshrl.u32 s7, $0x3;
	s30 =	sadd.s32 s26, s1  }
0xf: {  	s12 =	smax.u32 s12, $0x1;
	s14 =	sadd.s32 s7, s6;
	s29 =	sshrl.u32 s13, $0x3  }
0x10: {  	s6 =	sor.u32 $0x1C03, s28;
	s13 =	sshrl.u32 s30, $0x3;
	s31 =	sadd.s32 $0x280, s29  }
0x11: {  	s7 =	sadd.s32 s9, s29;
	s8 =	sadd.s32 s10, s29;
	s11 =	sadd.s32 $0x2D600, s14  }
0x12: {  	s14 =	simm.s32 $0x3;
	s9 =	sadd.s32 s9, s31;
	s10 =	sadd.s32 s10, s31  }
.LBB2_1:
0x13: {  	[spmem:s13], [sflag:s6] =	dma.local [hbm:s5], $0x2800  }
0x14: {  	_ =	swait.ge [sflag:s14], $0x2800  }
0x15: {  	[sflag:s14] =	ssyncset.done $0x0  }
0x16: {  	[sflag:s14] =	ssyncadd.s32 $0xFFFFD800  }
0x17: {  	[tilespmem:s3], [sflag:$0x3] =	stream.linear.gather [hbm4b:s7+s3], $0x1400, $0x38;
	[tilespmem:$0x1E800] =	vst v63  }
0x18: {  	_ =	swait.ge [sflag:s14], $0x1400  }
0x19: {  	[sflag:s14] =	ssyncset.done $0x0  }
0x1a: {  	[sflag:s14] =	ssyncadd.s32 $0xFFFFEC00  }
0x1b: {  	[tilespmem:s15], [sflag:$0x3] =	stream.linear.gather [hbm4b:s8+s3], $0x1400, $0x38;
	[tilespmem:$0x1E800] =	vst v63  }
0x1c: {  	_ =	swait.ge [sflag:s14], $0x1400  }
0x1d: {  	[sflag:s14] =	ssyncset.done $0x0  }
0x1e: {  	[sflag:s14] =	ssyncadd.s32 $0xFFFFEC00  }
0x1f: {  	s22 =	simm.s32 $0x0;
	[bflag:$0x0] =	sbarrier.arrive $0xFFFF  }
0x20: {  	[tilespmem:s17], [sflag:$0x1] =	stream.indirect.gather [hbm4b:s4+s16], $0x80, s22, s16, $0xb8;
	[tilespmem:$0x1E800] =	vst v63  }
0x21: {  	s29 =	simm.s32 $0x80  }
0x22: {  	[tilespmem:s18], [sflag:$0x1] =	stream.indirect.gather [hbm4b:s4+s16], $0x80, s29, s16, $0xb8;
	[tilespmem:$0x1E800] =	vst v63  }
0x23: {  	_ =	swait.ge [sflag:s19], $0x4000  }
0x24: {  	[sflag:s19] =	ssyncset.done $0x0  }
0x25: {  	s30 =	simm.s32 $0x1400;
	[sflag:s19] =	ssyncadd.s32 $0xFFFFC000  }
0x26: {  	[spmem:s1] =	stream.indirect.scatter.add.f32 [tilespmem:s17], [sflag:$0x2], $0x80, s30, s16, $0xb8;
	[tilespmem:$0x1E800] =	vst v63  }
0x27: {  	_ =	swait.ge [sflag:s19], $0x4000  }
0x28: {  	[sflag:s19] =	ssyncset.done $0x0  }
0x29: {  	s31 =	simm.s32 $0x1480;
	[sflag:s19] =	ssyncadd.s32 $0xFFFFC000  }
0x2a: {  	[spmem:s1] =	stream.indirect.scatter.add.f32 [tilespmem:s18], [sflag:$0x2], $0x80, s31, s16, $0xb8;
	[tilespmem:$0x1E800] =	vst v63  }
0x2b: {  	_ =	swait.ge [sflag:s20], $0x4000  }
0x2c: {  	[sflag:s20] =	ssyncset.done $0x0  }
0x2d: {  	[sflag:s20] =	ssyncadd.s32 $0xFFFFC000  }
0x2e: {  	_ =	swait.ge [sflag:s20], $0x4000  }
0x2f: {  	s23 =	simm.s32 $0x800;
	s22 =	simm.s32 $0x400;
	[sflag:s20] =	ssyncset.done $0x0  }
.LBB2_2:
0x30: {  	s24 =	sshra.s32 s22, $0x2  }
0x31: {  	[sflag:s20] =	ssyncadd.s32 $0xFFFFC000;
	s22 =	smov.u32 s23;
	s25 =	sadd.s32 $0x400, s23  }
0x32: {  	[tilespmem:s17], [sflag:$0x1] =	stream.indirect.gather [hbm4b:s4+s16], $0x80, s24, s16, $0xb8;
	[tilespmem:$0x1E800] =	vst v63  }
0x33: {  	p0 =	sne.s32 s23, $0x4C00;
	s23 =	sadd.s32 $0x80, s24  }
0x34: {  	[tilespmem:s18], [sflag:$0x1] =	stream.indirect.gather [hbm4b:s4+s16], $0x80, s23, s16, $0xb8;
	[tilespmem:$0x1E800] =	vst v63  }
0x35: {  	_ =	swait.ge [sflag:s19], $0x4000  }
0x36: {  	[sflag:s19] =	ssyncset.done $0x0  }
0x37: {  	s23 =	sadd.s32 $0x1400, s24;
	[sflag:s19] =	ssyncadd.s32 $0xFFFFC000  }
0x38: {  	[spmem:s1] =	stream.indirect.scatter.add.f32 [tilespmem:s17], [sflag:$0x2], $0x80, s23, s16, $0xb8;
	[tilespmem:$0x1E800] =	vst v63  }
0x39: {  	_ =	swait.ge [sflag:s19], $0x4000  }
0x3a: {  	[sflag:s19] =	ssyncset.done $0x0  }
0x3b: {  	s23 =	sadd.s32 $0x1480, s24;
	[sflag:s19] =	ssyncadd.s32 $0xFFFFC000  }
0x3c: {  	[spmem:s1] =	stream.indirect.scatter.add.f32 [tilespmem:s18], [sflag:$0x2], $0x80, s23, s16, $0xb8;
	[tilespmem:$0x1E800] =	vst v63  }
.Ltmp0:
0x3d: {  	_ =	swait.ge [sflag:s20], $0x4000;
	(pc) =	sbr.rel @p0 .LBB2_2-.Ltmp0, $4  }
0x3e: {  	[sflag:s20] =	ssyncset.done $0x0  }
0x3f: {  	[sflag:s20] =	ssyncadd.s32 $0xFFFFC000  }
0x40: {  	_ =	swait.ge [sflag:s20], $0x4000  }
0x41: {  	s23 =	smov.u32 s25;
	[sflag:s20] =	ssyncset.done $0x0  }
0x42: {  	s22 =	sshra.s32 s22, $0x2;
	[sflag:s20] =	ssyncadd.s32 $0xFFFFC000  }
0x43: {  	[tilespmem:s17], [sflag:$0x1] =	stream.indirect.gather [hbm4b:s4+s16], $0x80, s22, s16, $0xb8;
	[tilespmem:$0x1E800] =	vst v63  }
0x44: {  	s23 =	sadd.s32 $0x80, s22  }
0x45: {  	[tilespmem:s18], [sflag:$0x1] =	stream.indirect.gather [hbm4b:s4+s16], $0x80, s23, s16, $0xb8;
	[tilespmem:$0x1E800] =	vst v63  }
0x46: {  	_ =	swait.ge [sflag:s19], $0x4000  }
0x47: {  	[sflag:s19] =	ssyncset.done $0x0  }
0x48: {  	s25 =	sadd.s32 $0x1400, s22;
	[sflag:s19] =	ssyncadd.s32 $0xFFFFC000  }
0x49: {  	[spmem:s1] =	stream.indirect.scatter.add.f32 [tilespmem:s17], [sflag:$0x2], $0x80, s25, s16, $0xb8;
	[tilespmem:$0x1E800] =	vst v63  }
0x4a: {  	_ =	swait.ge [sflag:s19], $0x4000  }
0x4b: {  	[sflag:s19] =	ssyncset.done $0x0  }
0x4c: {  	s22 =	sadd.s32 $0x1480, s22;
	[sflag:s19] =	ssyncadd.s32 $0xFFFFC000  }
0x4d: {  	[spmem:s1] =	stream.indirect.scatter.add.f32 [tilespmem:s18], [sflag:$0x2], $0x80, s22, s16, $0xb8;
	[tilespmem:$0x1E800] =	vst v63  }
0x4e: {  	_ =	swait.ge [sflag:s20], $0x4000  }
0x4f: {  	[sflag:s20] =	ssyncset.done $0x0  }
0x50: {  	[sflag:s20] =	ssyncadd.s32 $0xFFFFC000  }
0x51: {  	_ =	swait.ge [sflag:s20], $0x4000  }
0x52: {  	[sflag:s20] =	ssyncset.done $0x0  }
0x53: {  	s26 =	simm.s32 $0x0;
	[sflag:s20] =	ssyncadd.s32 $0xFFFFC000  }
0x54: {  	[tilespmem:s26], [sflag:$0x3] =	stream.linear.gather [hbm4b:s9+s26], $0x1400, $0x38;
	[tilespmem:$0x1E800] =	vst v63  }
0x55: {  	_ =	swait.ge [sflag:s14], $0x1400  }
0x56: {  	[sflag:s14] =	ssyncset.done $0x0  }
0x57: {  	[sflag:s14] =	ssyncadd.s32 $0xFFFFEC00  }
0x58: {  	[tilespmem:s15], [sflag:$0x3] =	stream.linear.gather [hbm4b:s10+s26], $0x1400, $0x38;
	[tilespmem:$0x1E800] =	vst v63  }
0x59: {  	_ =	swait.ge [sflag:s14], $0x1400  }
0x5a: {  	[sflag:s14] =	ssyncset.done $0x0  }
0x5b: {  	s28 =	simm.s32 $0x0;
	[sflag:s14] =	ssyncadd.s32 $0xFFFFEC00  }
0x5c: {  	[tilespmem:s17], [sflag:$0x1] =	stream.indirect.gather [hbm4b:s4+s16], $0x80, s28, s16, $0xb8;
	[tilespmem:$0x1E800] =	vst v63  }
0x5d: {  	s29 =	simm.s32 $0x80  }
0x5e: {  	[tilespmem:s18], [sflag:$0x1] =	stream.indirect.gather [hbm4b:s4+s16], $0x80, s29, s16, $0xb8;
	[tilespmem:$0x1E800] =	vst v63  }
0x5f: {  	_ =	swait.ge [sflag:s19], $0x4000  }
0x60: {  	[sflag:s19] =	ssyncset.done $0x0  }
0x61: {  	s30 =	simm.s32 $0x1400;
	[sflag:s19] =	ssyncadd.s32 $0xFFFFC000  }
0x62: {  	[spmem:s1] =	stream.indirect.scatter.add.f32 [tilespmem:s17], [sflag:$0x2], $0x80, s30, s16, $0xb8;
	[tilespmem:$0x1E800] =	vst v63  }
0x63: {  	_ =	swait.ge [sflag:s19], $0x4000  }
0x64: {  	[sflag:s19] =	ssyncset.done $0x0  }
0x65: {  	s31 =	simm.s32 $0x1480;
	[sflag:s19] =	ssyncadd.s32 $0xFFFFC000  }
0x66: {  	[spmem:s1] =	stream.indirect.scatter.add.f32 [tilespmem:s18], [sflag:$0x2], $0x80, s31, s16, $0xb8;
	[tilespmem:$0x1E800] =	vst v63  }
0x67: {  	_ =	swait.ge [sflag:s20], $0x4000  }
0x68: {  	[sflag:s20] =	ssyncset.done $0x0  }
0x69: {  	[sflag:s20] =	ssyncadd.s32 $0xFFFFC000  }
0x6a: {  	_ =	swait.ge [sflag:s20], $0x4000  }
0x6b: {  	s23 =	simm.s32 $0x800;
	s22 =	simm.s32 $0x400;
	[sflag:s20] =	ssyncset.done $0x0  }
.LBB2_4:
0x6c: {  	s24 =	sshra.s32 s22, $0x2  }
0x6d: {  	[sflag:s20] =	ssyncadd.s32 $0xFFFFC000;
	s22 =	smov.u32 s23;
	s25 =	sadd.s32 $0x400, s23  }
0x6e: {  	[tilespmem:s17], [sflag:$0x1] =	stream.indirect.gather [hbm4b:s4+s16], $0x80, s24, s16, $0xb8;
	[tilespmem:$0x1E800] =	vst v63  }
0x6f: {  	p0 =	sne.s32 s23, $0x4C00;
	s23 =	sadd.s32 $0x80, s24  }
0x70: {  	[tilespmem:s18], [sflag:$0x1] =	stream.indirect.gather [hbm4b:s4+s16], $0x80, s23, s16, $0xb8;
	[tilespmem:$0x1E800] =	vst v63  }
0x71: {  	_ =	swait.ge [sflag:s19], $0x4000  }
0x72: {  	[sflag:s19] =	ssyncset.done $0x0  }
0x73: {  	s23 =	sadd.s32 $0x1400, s24;
	[sflag:s19] =	ssyncadd.s32 $0xFFFFC000  }
0x74: {  	[spmem:s1] =	stream.indirect.scatter.add.f32 [tilespmem:s17], [sflag:$0x2], $0x80, s23, s16, $0xb8;
	[tilespmem:$0x1E800] =	vst v63  }
0x75: {  	_ =	swait.ge [sflag:s19], $0x4000  }
0x76: {  	[sflag:s19] =	ssyncset.done $0x0  }
0x77: {  	s23 =	sadd.s32 $0x1480, s24;
	[sflag:s19] =	ssyncadd.s32 $0xFFFFC000  }
0x78: {  	[spmem:s1] =	stream.indirect.scatter.add.f32 [tilespmem:s18], [sflag:$0x2], $0x80, s23, s16, $0xb8;
	[tilespmem:$0x1E800] =	vst v63  }
.Ltmp1:
0x79: {  	_ =	swait.ge [sflag:s20], $0x4000;
	(pc) =	sbr.rel @p0 .LBB2_4-.Ltmp1, $4  }
0x7a: {  	[sflag:s20] =	ssyncset.done $0x0  }
0x7b: {  	[sflag:s20] =	ssyncadd.s32 $0xFFFFC000  }
0x7c: {  	_ =	swait.ge [sflag:s20], $0x4000  }
0x7d: {  	s23 =	smov.u32 s25;
	[sflag:s20] =	ssyncset.done $0x0  }
0x7e: {  	s22 =	sshra.s32 s22, $0x2;
	[sflag:s20] =	ssyncadd.s32 $0xFFFFC000  }
0x7f: {  	[tilespmem:s17], [sflag:$0x1] =	stream.indirect.gather [hbm4b:s4+s16], $0x80, s22, s16, $0xb8;
	[tilespmem:$0x1E800] =	vst v63  }
0x80: {  	s23 =	sadd.s32 $0x80, s22  }
0x81: {  	[tilespmem:s18], [sflag:$0x1] =	stream.indirect.gather [hbm4b:s4+s16], $0x80, s23, s16, $0xb8;
	[tilespmem:$0x1E800] =	vst v63  }
0x82: {  	_ =	swait.ge [sflag:s19], $0x4000  }
0x83: {  	[sflag:s19] =	ssyncset.done $0x0  }
0x84: {  	s31 =	sadd.s32 $0x1400, s22;
	[sflag:s19] =	ssyncadd.s32 $0xFFFFC000  }
0x85: {  	[spmem:s1] =	stream.indirect.scatter.add.f32 [tilespmem:s17], [sflag:$0x2], $0x80, s31, s16, $0xb8;
	[tilespmem:$0x1E800] =	vst v63  }
0x86: {  	_ =	swait.ge [sflag:s19], $0x4000  }
0x87: {  	[sflag:s19] =	ssyncset.done $0x0  }
0x88: {  	s22 =	sadd.s32 $0x1480, s22;
	[sflag:s19] =	ssyncadd.s32 $0xFFFFC000  }
0x89: {  	[spmem:s1] =	stream.indirect.scatter.add.f32 [tilespmem:s18], [sflag:$0x2], $0x80, s22, s16, $0xb8;
	[tilespmem:$0x1E800] =	vst v63  }
0x8a: {  	_ =	swait.ge [sflag:s20], $0x4000  }
0x8b: {  	[sflag:s20] =	ssyncset.done $0x0  }
0x8c: {  	[sflag:s20] =	ssyncadd.s32 $0xFFFFC000  }
0x8d: {  	_ =	swait.ge [sflag:s20], $0x4000  }
0x8e: {  	s21 =	sadd.s32 $0x1, s21;
	[sflag:s20] =	ssyncset.done $0x0  }
0x8f: {  	p0 =	sne.s32 s21, s12;
	[sflag:s20] =	ssyncadd.s32 $0xFFFFC000  }
.Ltmp2:
0x90: {  	[bflag:$0x0] =	sbarrier.arrive $0xFFFF;
	(pc) =	sbr.rel @p0 .LBB2_1-.Ltmp2, $4  }
0x91: {  	[hbm:s11], [sflag:s6] =	dma.local [spmem:s13], $0x2800  }
0x92: {  	_ =	swait.ge [sflag:s14], $0x2800  }
0x93: {  	[sflag:s14] =	ssyncset.done $0x0  }
0x94: {  	[sflag:s14] =	ssyncadd.s32 $0xFFFFD800  }
0x95: {  	_ =	sfence.sel $0x180000  }
0x96: {  	[bflag:$0x0] =	sbarrier.arrive $0xFFFF  }
0x97: {  	p0 =	sne.s32 s2, $0x0;
	_ =	strace $0x9000004D  }
0x98: {  	s0 =	sadd.s32 @!p0 $0x100000, s0;
	[bflag:$0x2] =	sbarrier.arrive $0xFFFF  }
0x99: {  	[sflag:s0] =	ssyncadd.tile.s32 @!p0 $0x1;
	_ =	shalt  }
.Lfunc_end2:
_tile_overlayer_lowered:
.L_overlay_start_2:
0x9a: {  	(tag) =	ssettag $0x2  }
0x9b: {  	s0 =	rddreg [dreg:$0x0];
	s2 =	stileid.u32  }
0x9c: {  	s1 =	rddreg [dreg:$0x1];
	p0 =	sne.s32 s2, $0x0  }
0x9d: {  	s3 =	rddreg [dreg:$0x2];
	[bflag:$0x3] =	sbarrier.arrive $0xFFFF;
	s2 =	simm.s32 @!p0 $0x1C03  }
0x9e: {  	[timem:s3], [sflag:s2] =	dma.local @!p0 [hbm:s0], s1  }
0x9f: {  	s0 =	simm.s32 @!p0 $0x3  }
0xa0: {  	_ =	swait.ge @!p0 [sflag:s0], s1  }
0xa1: {  	s1 =	ssub.s32 @!p0 $0x0, s1;
	[sflag:s0] =	ssyncset.done @!p0 $0x0  }
0xa2: {  	[sflag:s0] =	ssyncadd.s32 @!p0 s1  }
0xa3: {  	[bflag:$0x3] =	sbarrier.arrive $0xFFFF  }
0xa4: {  	_ =	shalt  }

// kernel: kernel.8.cloned.1.call-start
scs
__scs_entry_jumppad:
0x0: {  	(pc) =	sbr.rel $0x88, $3  }
0x1: {  	(tag) =	ssettag $0x0;
	lr =	simm.s32 $0x1  }
0x2: {  	[smem:$0x3F99] =	sst lr;
	_ =	strace $0xD0000000  }
0x3: {  	_ = 	snop  }
0x4: {  	_ = 	snop  }
0x5: {  	_ = 	snop  }
0x6: {  	_ = 	snop  }
0x7: {  	_ = 	snop  }
__scs_overlays_trampoline_lowered:
0x8: {  	[smem:$0x3FA8] =	sst s0  }
0x9: {  	[smem:$0x3FA9] =	sst s1  }
0xa: {  	[smem:$0x3FAA] =	sst s2  }
0xb: {  	[smem:$0x3FAB] =	sst s3  }
0xc: {  	[smem:$0x3FAC] =	sst s4  }
0xd: {  	[smem:$0x3FAD] =	sst s5  }
0xe: {  	[smem:$0x3FAE] =	sst s6  }
0xf: {  	[smem:$0x3FAF] =	sst s7  }
0x10: {  	[smem:$0x3FB0] =	sst s8  }
0x11: {  	[smem:$0x3FB1] =	sst s9;
	s0 =	simm.s32 @!p0 $0x0  }
0x12: {  	s1 =	sld [smem:$0x3F97];
	s0 =	simm.s32 @p0 $0x1  }
0x13: {  	[smem:$0x3FB2] =	sst s0;
	s0 =	simm.s32 @!p1 $0x0  }
0x14: {  	s2 =	sld [smem:$0x3F96];
	s0 =	simm.s32 @p1 $0x1  }
0x15: {  	[smem:$0x3FB3] =	sst s0;
	s0 =	simm.s32 @!p2 $0x0  }
0x16: {  	s3 =	sld [smem:$0x3FDB];
	s0 =	simm.s32 @p2 $0x1  }
0x17: {  	s4 =	simm.s32 $0x1BF5;
	[smem:$0x3FB5] =	sst s0  }
0x18: {  	s0 =	sld [smem:$0x3F98];
	_ =	swait.ge [sflag:s4], $0x0  }
0x19: {  	s7 =	sld [smem:$0x3F99]  }
0x1a: {  	s8 =	sadd.s32 $0xFFFFE003, lr  }
0x1b: {  	s9 =	sadd.s32 $0xFFFFFEF7, lr;
	s5 =	simm.s32 $0xFFFFFFFF;
	p2 =	slt.u32 s8, $0xFFFFF086  }
0x1c: {  	p1 =	slt.u32 s9, $0xF7A;
	s5 =	simm.s32 @!p2 $0x0  }
0x1d: {  	s5 =	simm.s32 @p1 $0x1;
	p0 =	seq.s32 s7, s2  }
0x1e: {  	s7 =	smul.u32 @!p0 $0xF7A, s2;
	p2 =	seq.s32 @!p0 s5, $0x0  }
0x1f: {  	s9 =	smul.u32 $0xF7A, s1;
	s8 =	simm.s32 @!p0 $0x1BF5;
	p2 =	por !p2, p0  }
0x20: {  	[sflag:s8] =	ssyncset.s32 @!p0 $0xFFFFF086;
	s6 =	sadd.s32 @!p0 s3, s7;
	s7 =	simm.s32 @!p0 $0x108  }
0x21: {  	s3 =	sadd.s32 s3, s9;
	s6 =	sadd.s32 @!p0 $0x88, s6;
	s7 =	simm.s32 @p2 $0x1082  }
0x22: {  	[simem:s7], [sflag:s8] =	dma.local @!p0 [hbm:s6], $0xF7A  }
0x23: {  	s9 =	sor.u32 $0xD0000000, s2;
	s6 =	simm.s32 $0x108;
	_ =	swait.ge @!p0 [sflag:s8], $0x0  }
0x24: {  	s3 =	sadd.s32 $0x88, s3;
	s6 =	simm.s32 @!p1 $0x1082;
	[sflag:s4] =	ssyncset.s32 $0xFFFFF086  }
0x25: {  	[simem:s6], [sflag:s4] =	dma.local [hbm:s3], $0xF7A  }
0x26: {  	[smem:$0x3F99] =	sst s1;
	(tag) =	ssettag s2;
	_ =	strace s9  }
0x27: {  	s1 =	sld [smem:$0x3FA9]  }
0x28: {  	s2 =	sld [smem:$0x3FAA]  }
0x29: {  	s4 =	sld [smem:$0x3FAC]  }
0x2a: {  	p0 =	seq.s32 s5, $0x0;
	s5 =	sld [smem:$0x3FAD]  }
0x2b: {  	s6 =	sld [smem:$0x3FAE]  }
0x2c: {  	s7 =	sld [smem:$0x3FAF]  }
0x2d: {  	s3 =	simm.s32 $0x108;
	s8 =	sld [smem:$0x3FB0]  }
0x2e: {  	s3 =	simm.s32 @!p0 $0x1082;
	s9 =	sld [smem:$0x3FB1]  }
0x2f: {  	lr =	sadd.s32 s0, s3;
	s0 =	sld [smem:$0x3FA8]  }
0x30: {  	s3 =	sld [smem:$0x3FAB]  }
0x31: {  	[smem:$0x3FB4] =	sst s10  }
0x32: {  	s10 =	sld [smem:$0x3FB2];
	_ =	sdelay $0x3  }
0x33: {  	p0 =	seq.s32 s10, $0x1;
	s10 =	sld [smem:$0x3FB4];
	_ =	sdelay $0x3  }
0x34: {  	[smem:$0x3FB4] =	sst s10  }
0x35: {  	s10 =	sld [smem:$0x3FB3];
	_ =	sdelay $0x3  }
0x36: {  	p1 =	seq.s32 s10, $0x1;
	s10 =	sld [smem:$0x3FB4];
	_ =	sdelay $0x3  }
0x37: {  	[smem:$0x3FB4] =	sst s10  }
0x38: {  	s10 =	sld [smem:$0x3FB5]  }
0x39: {  	_ = 	snop;
	(pc) =	sbr.ind lr, $3  }
0x3a: {  	_ = 	snop  }
0x3b: {  	_ = 	snop  }
0x3c: {  	p2 =	seq.s32 s10, $0x1;
	s10 =	sld [smem:$0x3FB4]  }
0x3d: {  	_ =	shalt  }
0x3e: {  	_ =	shalt  }
0x3f: {  	_ =	shalt  }
0x40: {  	_ =	shalt  }
0x41: {  	_ =	shalt  }
0x42: {  	_ =	shalt  }
0x43: {  	_ =	shalt  }
0x44: {  	_ =	shalt  }
0x45: {  	_ =	shalt  }
0x46: {  	_ =	shalt  }
0x47: {  	_ =	shalt  }
0x48: {  	_ =	shalt  }
0x49: {  	_ =	shalt  }
0x4a: {  	_ =	shalt  }
0x4b: {  	_ =	shalt  }
0x4c: {  	_ =	shalt  }
0x4d: {  	_ =	shalt  }
0x4e: {  	_ =	shalt  }
0x4f: {  	_ =	shalt  }
0x50: {  	_ =	shalt  }
0x51: {  	_ =	shalt  }
0x52: {  	_ =	shalt  }
0x53: {  	_ =	shalt  }
0x54: {  	_ =	shalt  }
0x55: {  	_ =	shalt  }
0x56: {  	_ =	shalt  }
0x57: {  	_ =	shalt  }
0x58: {  	_ =	shalt  }
0x59: {  	_ =	shalt  }
0x5a: {  	_ =	shalt  }
0x5b: {  	_ =	shalt  }
0x5c: {  	_ =	shalt  }
0x5d: {  	_ =	shalt  }
0x5e: {  	_ =	shalt  }
0x5f: {  	_ =	shalt  }
0x60: {  	_ =	shalt  }
0x61: {  	_ =	shalt  }
0x62: {  	_ =	shalt  }
0x63: {  	_ =	shalt  }
0x64: {  	_ =	shalt  }
0x65: {  	_ =	shalt  }
0x66: {  	_ =	shalt  }
0x67: {  	_ =	shalt  }
0x68: {  	_ =	shalt  }
0x69: {  	_ =	shalt  }
0x6a: {  	_ =	shalt  }
0x6b: {  	_ =	shalt  }
0x6c: {  	_ =	shalt  }
0x6d: {  	_ =	shalt  }
0x6e: {  	_ =	shalt  }
0x6f: {  	_ =	shalt  }
0x70: {  	_ =	shalt  }
0x71: {  	_ =	shalt  }
0x72: {  	_ =	shalt  }
0x73: {  	_ =	shalt  }
0x74: {  	_ =	shalt  }
0x75: {  	_ =	shalt  }
0x76: {  	_ =	shalt  }
0x77: {  	_ =	shalt  }
0x78: {  	_ =	shalt  }
0x79: {  	_ =	shalt  }
0x7a: {  	_ =	shalt  }
0x7b: {  	_ =	shalt  }
0x7c: {  	_ =	shalt  }
0x7d: {  	_ =	shalt  }
0x7e: {  	_ =	shalt  }
0x7f: {  	_ =	shalt  }
0x80: {  	_ =	shalt  }
0x81: {  	_ =	shalt  }
0x82: {  	_ =	shalt  }
0x83: {  	_ =	shalt  }
0x84: {  	_ =	shalt  }
0x85: {  	_ =	shalt  }
0x86: {  	_ =	shalt  }
0x87: {  	_ =	shalt  }
.Lfunc_end0:
.L_simem_size_0:
called_computation_lowered:
.L_overlay_start_0:
0x88: {  	s2 =	sld [smem:$0x3FD9]  }
0x89: {  	s3 =	sld [smem:$0x3FFE];
	_ =	sdelay $0x1  }
0x8a: {  	s1 =	srdreg.scid  }
0x8b: {  	s0 =	sand.u32 $0x1, s1  }
0x8c: {  	s14 =	sshll.u32 s0, $0xA;
	s2 =	sadd.s32 s3, s2  }
0x8d: {  	s2 =	sadd.s32 s2, s14  }
0x8e: {  	[smem:$0x3FC0] =	sst s2  }
0x8f: {  	_ = 	snop  }
0x90: {  	s2 =	sld [smem:$0x3FD0];
	_ =	sdelay $0x2  }
0x91: {  	s15 =	simm.s32 $0xA;
	s4 =	simm.s32 $0x10  }
0x92: {  	[smem:s4], [sflag:s15] =	dma.local [hbm:s2], $0x1  }
0x93: {  	_ =	swait.eq [sflag:s15], $0x1  }
0x94: {  	[sflag:s15] =	ssyncset.done $0x0  }
0x95: {  	[sflag:s15] =	ssyncadd.s32 $0xFFFFFFFF  }
0x96: {  	s16 =	sld [smem:$0x11];
	(tm) =	ssettm $0x1  }
0x97: {  	s17 =	sld [smem:$0x3FFB];
	_ =	sdelay $0x3  }
0x98: {  	_ =	strace s17  }
0x99: {  	s3 =	sld [smem:$0x3FFC];
	_ =	sdelay $0x3  }
0x9a: {  	_ =	strace s3  }
0x9b: {  	s3 =	sld [smem:$0x3FFD];
	_ =	sdelay $0x3  }
0x9c: {  	_ =	strace s3  }
0x9d: {  	_ =	strace $0x8FFFFFFF  }
0x9e: {  	s18 =	sld [smem:$0x3FDB];
	_ =	sdelay $0x1  }
0x9f: {  	s19 =	simm.s32 $_scs_section_size  }
0xa0: {  	s5 =	simm.s32 $_size__tile_overlayer_lowered;
	s6 =	simm.s32 $_tile_overlayer_lowered  }
0xa1: {  	s22 =	simm.s32 $0x1BFF;
	s21 =	sshll.u32 s6, $0x1;
	s3 =	sadd.s32 s19, s18  }
0xa2: {  	s7 =	simm.s32 $0x0;
	s20 =	sshll.u32 s5, $0x1;
	s5 =	sadd.s32 s21, s3  }
0xa3: {  	[timem:s7], [sflag:s22] =	dma.local [hbm:s5], s20  }
0xa4: {  	_ =	swait.ge [sflag:s22], s20  }
0xa5: {  	s4 =	ssub.s32 $0x0, s20;
	[sflag:s22] =	ssyncset.done $0x0  }
0xa6: {  	[sflag:s22] =	ssyncadd.s32 s4;
	_ =	sdelay $0x1  }
0xa7: {  	s23 =	simm.s32 $0x1B8B  }
0xa8: {  	_ =	swait.ge [sflag:s23], $0x1  }
0xa9: {  	[sflag:s23] =	ssyncset.done $0x0  }
0xaa: {  	s25 =	simm.s32 $0x1B8E;
	s24 =	sld [smem:$0x3FFE];
	[sflag:s23] =	ssyncadd.s32 $0xFFFFFFFF  }
0xab: {  	s26 =	simm.s32 $execute0_lowered;
	[smem:$0x3FD2] =	sst s25  }
0xac: {  	s5 =	sshll.u32 s26, $0x1;
	_ =	strace $0x80000046;
	[dreg:$0x1] =	wrdreg $0xFFFFFFFF  }
0xad: {  	s28 =	simm.s32 $_size_execute0_lowered;
	s3 =	sadd.s32 s3, s5;
	[dreg:$0x0] =	wrdreg $0x0  }
0xae: {  	s5 =	sshll.u32 s28, $0x1;
	[dreg:$0x2] =	wrdreg s3  }
0xaf: {  	[dreg:$0x3] =	wrdreg s5  }
0xb0: {  	[dreg:$0x4] =	wrdreg $0xC0  }
0xb1: {  	_ =	task [dreg:s7], $0x5FFFF  }
0xb2: {  	[dreg:$0x1] =	wrdreg $0xFFFFFFFF  }
0xb3: {  	[dreg:$0x0] =	wrdreg $0x60  }
0xb4: {  	[dreg:$0x2] =	wrdreg s16  }
0xb5: {  	[dreg:$0x3] =	wrdreg s24  }
0xb6: {  	[dreg:$0x4] =	wrdreg $0x28800  }
0xb7: {  	[dreg:$0x5] =	wrdreg $0x9  }
0xb8: {  	_ =	task.clear_ibuf [dreg:s7], $0x6FFFF;
	_ =	strace $0x90000046  }
0xb9: {  	s29 =	simm.s32 $0x9;
	_ =	strace $0x80000048  }
0xba: {  	_ =	swait.ge [sflag:s29], $0x1  }
0xbb: {  	[sflag:s29] =	ssyncadd.s32 $0xFFFFFFFF  }
0xbc: {  	_ =	strace $0x90000048  }
0xbd: {  	_ =	sfence  }
0xbe: {  	s30 =	sld [smem:$0x0];
	_ =	sdelay $0x2  }
0xbf: {  	s31 =	sshll.u32 s1, $0xD;
	s1 =	sshrl.u32 s1, $0x2  }
0xc0: {  	s3 =	sand.u32 $0x4000, s31;
	s1 =	sadd.s32 s1, s30  }
0xc1: {  	s0 =	sor.u32 s3, s0;
	s1 =	sshll.u32 s1, $0x11  }
0xc2: {  	s0 =	sor.u32 s1, s0  }
0xc3: {  	s0 =	sadd.s32 $0x8F2B, s0  }
0xc4: {  	[sflag:s0] =	ssyncadd.remote.s32 $0x1  }
0xc5: {  	_ =	sfence.sel $0xFFFF  }
0xc6: {  	[dreg:$0x0] =	wrdreg $0xFFFFFFFF;
	(pc) =	sbr.abs _section_cstart, $3  }
0xc7: {  	[dreg:$0x1] =	wrdreg $0xFFFFFFFF  }
0xc8: {  	_ =	task.clear_ibuf [dreg:s7], $0x2FFFF;
	_ =	strace $0x9FFFFFFF  }
0xc9: {  	(tm) =	ssettm $0x7FFFFFFF  }
tec
execute0_lowered:
.L_overlay_start_1:
0x0: {  	(tag) =	ssettag $0x1  }
0x1: {  	s7 =	rddreg [dreg:$0x0]  }
0x2: {  	s6 =	rddreg [dreg:$0x1]  }
0x3: {  	s2 =	rddreg [dreg:$0x2]  }
0x4: {  	s0 =	rddreg [dreg:$0x3];
	s4 =	srdreg.scid  }
0x5: {  	s1 =	stileid.u32;
	s3 =	simm.s32 $0x0;
	s13 =	simm.s32 $0x80  }
0x6: {  	s14 =	simm.s32 $0x20;
	s15 =	simm.s32 $0x10;
	s16 =	simm.s32 $0x0  }
0x7: {  	s8 =	sand.u32 $0x1, s4;
	s5 =	smul.u32 $0x500, s1;
	[smem:$0x7FF] =	sst s3  }
0x8: {  	s4 =	sadd.s32 $0x2E00, s6;
	s11 =	smul.u32 $0xA00, s1;
	s31 =	sshll.u32 s1, $0x6  }
0x9: {  	s9 =	sshll.u32 s8, $0x7;
	_ =	strace $0x80000047;
	s10 =	sshll.u32 s8, $0x4  }
0xa: {  	s8 =	ssub.s32 $0x2, s8;
	s9 =	sor.u32 s9, s5;
	s5 =	sadd.s32 $0x3000, s6  }
0xb: {  	s10 =	sor.u32 s1, s10;
	s29 =	sshrl.u32 s8, $0x1;
	s30 =	sshrl.u32 s11, $0x2  }
0xc: {  	s9 =	sshrl.u32 s9, $0x3;
	s10 =	smul.u32 $0x500, s10;
	s12 =	ssub.s32 s8, s29  }
0xd: {  	s11 =	sadd.s32 s30, s2;
	s9 =	sadd.s32 s9, s6;
	s6 =	sor.u32 $0x1C01, s31  }
0xe: {  	s7 =	sadd.s32 s7, s10;
	s8 =	sadd.s32 $0x3200, s9;
	s9 =	smax.u32 s12, $0x1  }
0xf: {  	s10 =	sshrl.u32 s11, $0x3;
	s11 =	simm.s32 $0x1;
	s12 =	simm.s32 $0x2800  }
.LBB2_1:
0x10: {  	[spmem:s10], [sflag:s6] =	dma.local [hbm:s4], $0x50  }
0x11: {  	_ =	swait.ge [sflag:s11], $0x50  }
0x12: {  	[sflag:s11] =	ssyncset.done $0x0  }
0x13: {  	[sflag:s11] =	ssyncadd.s32 $0xFFFFFFB0  }
0x14: {  	[tilespmem:s3], [sflag:$0x1] =	stream.linear.gather [hbm4b:s7+s3], $0x2800, $0x38;
	[tilespmem:$0x2B00] =	vst v63  }
0x15: {  	_ =	swait.ge [sflag:s11], $0x2800  }
0x16: {  	[sflag:s11] =	ssyncset.done $0x0  }
0x17: {  	[sflag:s11] =	ssyncadd.s32 $0xFFFFD800  }
0x18: {  	[tilespmem:s12], [sflag:$0x1] =	stream.linear.gather [hbm4b:s5+s3], $0x80, $0x38;
	[tilespmem:$0x2B00] =	vst v63  }
0x19: {  	_ =	swait.ge [sflag:s11], $0x80  }
0x1a: {  	[sflag:s11] =	ssyncset.done $0x0  }
0x1b: {  	[sflag:s11] =	ssyncadd.s32 $0xFFFFFF80  }
0x1c: {  	s17 =	simm.s32 $0x0;
	[bflag:$0x0] =	sbarrier.arrive $0xFFFF  }
0x1d: {  	[spmem:s2] =	stream.indirect.scatter.add.f32 [tilespmem:s12], [sflag:$0x1], $0x1, s17, s13, $0xb8;
	[tilespmem:$0x2B00] =	vst v63  }
0x1e: {  	_ =	swait.ge [sflag:s11], $0x80  }
0x1f: {  	s17 =	simm.s32 $0x200;
	[sflag:s11] =	ssyncset.done $0x0  }
.LBB2_2:
0x20: {  	s18 =	sshra.s32 s17, $0x2;
	[sflag:s11] =	ssyncadd.s32 $0xFFFFFF80;
	p0 =	sne.s32 s17, $0x9E00  }
0x21: {  	[spmem:s2] =	stream.indirect.scatter.add.f32 [tilespmem:s12], [sflag:$0x1], $0x1, s18, s13, $0xb8;
	[tilespmem:$0x2B00] =	vst v63  }
.Ltmp0:
0x22: {  	_ = 	snop;
	(pc) =	sbr.rel @p0 .LBB2_2-.Ltmp0, $4  }
0x23: {  	_ = 	snop  }
0x24: {  	s17 =	sadd.s32 $0x200, s17  }
0x25: {  	_ =	swait.ge [sflag:s11], $0x80  }
0x26: {  	[sflag:s11] =	ssyncset.done $0x0  }
0x27: {  	s16 =	sadd.s32 $0x1, s16  }
0x28: {  	[sflag:s11] =	ssyncadd.s32 $0xFFFFFF80;
	p0 =	sne.s32 s16, s9  }
.Ltmp1:
0x29: {  	[bflag:$0x0] =	sbarrier.arrive $0xFFFF;
	(pc) =	sbr.rel @p0 .LBB2_1-.Ltmp1, $4  }
0x2a: {  	[hbm:s8@s14], [sflag:s6] =	dma.strided [spmem:s10@s15], $0x50, s11, $0x10   }
0x2b: {  	_ =	swait.ge [sflag:s11], $0x50  }
0x2c: {  	[sflag:s11] =	ssyncset.done $0x0  }
0x2d: {  	[sflag:s11] =	ssyncadd.s32 $0xFFFFFFB0  }
0x2e: {  	_ =	sfence.sel $0x180000  }
0x2f: {  	[bflag:$0x0] =	sbarrier.arrive $0xFFFF  }
0x30: {  	p0 =	sne.s32 s1, $0x0;
	_ =	strace $0x90000047  }
0x31: {  	s0 =	sadd.s32 @!p0 $0x100000, s0;
	[bflag:$0x2] =	sbarrier.arrive $0xFFFF  }
0x32: {  	[sflag:s0] =	ssyncadd.tile.s32 @!p0 $0x1;
	_ =	shalt  }
.Lfunc_end2:
_tile_overlayer_lowered:
.L_overlay_start_2:
0x33: {  	(tag) =	ssettag $0x2  }
0x34: {  	s0 =	rddreg [dreg:$0x0];
	s2 =	stileid.u32  }
0x35: {  	s1 =	rddreg [dreg:$0x1];
	p0 =	sne.s32 s2, $0x0  }
0x36: {  	s3 =	rddreg [dreg:$0x2];
	[bflag:$0x3] =	sbarrier.arrive $0xFFFF;
	s2 =	simm.s32 @!p0 $0x1C01  }
0x37: {  	[timem:s3], [sflag:s2] =	dma.local @!p0 [hbm:s0], s1  }
0x38: {  	s0 =	simm.s32 @!p0 $0x1  }
0x39: {  	_ =	swait.ge @!p0 [sflag:s0], s1  }
0x3a: {  	s1 =	ssub.s32 @!p0 $0x0, s1;
	[sflag:s0] =	ssyncset.done @!p0 $0x0  }
0x3b: {  	[sflag:s0] =	ssyncadd.s32 @!p0 s1  }
0x3c: {  	[bflag:$0x3] =	sbarrier.arrive $0xFFFF  }
0x3d: {  	_ =	shalt  }

</sc_bundles>
